<compile_context>
chip_gen: v7x
topology: tpu7x:2x2x1
jax: 0.10.2.dev20260603
libtpu: 0.0.44.dev20260713+nightly
codegen_flags: <defaults>
</compile_context>

<pallas_src>
import jax
import jax.numpy as jnp
from jax import lax
from jax.experimental import pallas as pl
from jax.experimental.pallas import tpu as pltpu
from jax.experimental.pallas import tpu_sc as plsc

N_FIELDS = 26
VOCAB = 100000
EMB = 32
BATCH = 16384

NC = 2
NS = 16
NW = NC * NS
B_PER_W = BATCH // NW
CHUNK = 128
SUB = B_PER_W // CHUNK
NCHUNKS = N_FIELDS * SUB
NBUF = 4
LANES = 16


def _tec_body(idx_hbm, tbl_hbm, out_hbm, idx_v, gbuf, acc, ld_sem, g_sems):
  wid = lax.axis_index("s") * NC + lax.axis_index("c")

  pltpu.async_copy(idx_hbm.at[wid], idx_v, ld_sem).wait()

  for b in range(NBUF):
    pltpu.async_copy(tbl_hbm.at[idx_v.at[b]], gbuf.at[b], g_sems.at[b])

  zero = jnp.zeros((LANES,), jnp.float32)

  def _zero(r, c):
    for u in range(8):
      acc[r * 8 + u, pl.ds(0, LANES)] = zero
      acc[r * 8 + u, pl.ds(LANES, LANES)] = zero
    return c

  lax.fori_loop(0, B_PER_W // 8, _zero, 0, unroll=False)

  def _step(ch, b):
    pltpu.make_async_copy(tbl_hbm.at[idx_v.at[ch]], gbuf.at[b],
                          g_sems.at[b]).wait()

    base = (ch % SUB) * CHUNK

    def _accum(r, c):
      row = base + r * 4
      for u in range(4):
        g0 = gbuf[b, r * 4 + u, pl.ds(0, LANES)]
        g1 = gbuf[b, r * 4 + u, pl.ds(LANES, LANES)]
        plsc.addupdate(acc.at[row + u, pl.ds(0, LANES)], g0)
        plsc.addupdate(acc.at[row + u, pl.ds(LANES, LANES)], g1)
      return c

    lax.fori_loop(0, CHUNK // 4, _accum, 0, unroll=False)

    nxt = ch + NBUF

    @pl.when(nxt < NCHUNKS)
    def _():
      pltpu.async_copy(tbl_hbm.at[idx_v.at[nxt]], gbuf.at[b], g_sems.at[b])

  def _ring(j, c):
    for b in range(NBUF):
      _step(j * NBUF + b, b)
    return c

  lax.fori_loop(0, NCHUNKS // NBUF, _ring, 0, unroll=False)

  pltpu.async_copy(acc, out_hbm.at[pl.ds(wid * B_PER_W, B_PER_W)],
                   ld_sem).wait()


@jax.jit
def kernel(x, tables):
  tbl_flat = tables.reshape(N_FIELDS * VOCAB, EMB)

  flat_idx = x.astype(jnp.int32) + (jnp.arange(N_FIELDS, dtype=jnp.int32)
                                    * VOCAB)[None, :]
  idx = flat_idx.reshape(NW, SUB, CHUNK, N_FIELDS).transpose(0, 3, 1, 2)
  idx = idx.reshape(NW, NCHUNKS, CHUNK)

  mesh = plsc.VectorSubcoreMesh(core_axis_name="c", subcore_axis_name="s")
  f = pl.kernel(
      _tec_body,
      out_type=jax.ShapeDtypeStruct((BATCH, EMB), jnp.float32),
      mesh=mesh,
      compiler_params=pltpu.CompilerParams(use_tc_tiling_on_sc=False),
      scratch_types=[
          pltpu.VMEM((NCHUNKS, CHUNK), jnp.int32),
          pltpu.VMEM((NBUF, CHUNK, EMB), jnp.float32),
          pltpu.VMEM((B_PER_W, EMB), jnp.float32),
          pltpu.SemaphoreType.DMA,
          pltpu.SemaphoreType.DMA((NBUF,)),
      ],
  )
  return f(idx, tbl_flat)

# --- scband reference (transcript-rebuilt; emitter-appended) ---
"""Pipeline reference for scband-sum-embedding-2430951490190 (READ-ONLY COPY).

The authoritative reference and input builder live on the scoring server;
editing this copy changes nothing except your own understanding.
"""

import jax, jax.numpy as jnp
import numpy as np

N_FIELDS = 26
VOCAB = 100000
EMB = 32
BATCH = 16384

def setup_inputs(seed: int = 0) -> dict:
    key = jax.random.key(seed)
    k_x, k_t = jax.random.split(key)
    x = jax.random.randint(k_x, (BATCH, N_FIELDS), 0, VOCAB, dtype=jnp.int64 if jax.config.jax_enable_x64 else jnp.int32)
    tables = jax.random.normal(k_t, (N_FIELDS, VOCAB, EMB), dtype=jnp.float32) * 0.01
    return {"x": x, "tables": tables}

def reference(x, tables):
    # Faithful translation of SumEmbedding.forward:
    # per-field embedding lookup, stack along new last dim, sum over that dim.
    embs = [jnp.take(tables[i], x[..., i], axis=0) for i in range(N_FIELDS)]
    stacked = jnp.stack(embs, axis=-1)  # [B, EMB, N_FIELDS]
    return jnp.sum(stacked, axis=-1)    # [B, EMB]

if __name__ == "__main__":
    import jax
    _d = setup_inputs()
    print(jax.jit(kernel)(*tuple(_d.values())))

</pallas_src>

<mosaic_0001>
#map = affine_map<(d0, d1) -> (0, 0, 0)>
#map1 = affine_map<(d0, d1) -> (0, 0)>
module attributes {stable_mosaic.version = 14 : i64} {
  func.func @_tec_body(%arg0: i32, %arg1: i32, %arg2: memref<32x104x128xi32, #tpu.memory_space<hbm>>, %arg3: memref<2600000x32xf32, #tpu.memory_space<hbm>>, %arg4: memref<16384x32xf32, #tpu.memory_space<hbm>>, %arg5: memref<104x128xi32, #tpu.memory_space<vmem>>, %arg6: memref<4x128x32xf32, #tpu.memory_space<vmem>>, %arg7: memref<512x32xf32, #tpu.memory_space<vmem>>, %arg8: memref<!tpu.dma_semaphore, #tpu.memory_space<semaphore_mem>>, %arg9: memref<4x!tpu.dma_semaphore, #tpu.memory_space<semaphore_mem>>) attributes {dimension_semantics = [#tpu.dimension_semantics<core_parallel>, #tpu.dimension_semantics<subcore_parallel>], iteration_bounds = array<i64: 2, 16>, scalar_prefetch = 0 : i64, scratch_operands = 5 : i64, tpu.core_type = #tpu.core_type<sc_vector_subcore>, window_params = [{transform_indices = #map}, {transform_indices = #map1}, {transform_indices = #map1}]} {
    %mul3A = arith.constant 2 : i32
    %mul3A_0 = arith.muli %arg1, %mul3A : i32
    %add3A = arith.addi %mul3A_0, %arg0 : i32
    %dma_start3A = arith.constant 0 : i32
    %dma_start3A_1 = arith.constant 0 : i32
    %dma_start3A_2 = tpu.memref_slice %arg2[%add3A, %dma_start3A, %dma_start3A_1] : memref<32x104x128xi32, #tpu.memory_space<hbm>> -> memref<1x104x128xi32, #tpu.memory_space<hbm>>
    %dma_start3A_3 = tpu.memref_squeeze %dma_start3A_2 : memref<1x104x128xi32, #tpu.memory_space<hbm>> -> memref<104x128xi32, #tpu.memory_space<hbm>>
    %dma_start3A_4 = arith.constant 0 : i32
    %dma_start3A_5 = arith.constant 0 : i32
    %dma_start3A_6 = tpu.memref_slice %arg2[%add3A, %dma_start3A_4, %dma_start3A_5] : memref<32x104x128xi32, #tpu.memory_space<hbm>> -> memref<1x104x128xi32, #tpu.memory_space<hbm>>
    %dma_start3A_7 = tpu.memref_squeeze %dma_start3A_6 : memref<1x104x128xi32, #tpu.memory_space<hbm>> -> memref<104x128xi32, #tpu.memory_space<hbm>>
    tpu.enqueue_dma source(%dma_start3A_7 : memref<104x128xi32, #tpu.memory_space<hbm>>) target(%arg5 : memref<104x128xi32, #tpu.memory_space<vmem>>) target_semaphore(%arg8 : memref<!tpu.dma_semaphore, #tpu.memory_space<semaphore_mem>>)
    %dma_wait3A = arith.constant 0 : i32
    %dma_wait3A_8 = arith.constant 0 : i32
    %dma_wait3A_9 = tpu.memref_slice %arg2[%add3A, %dma_wait3A, %dma_wait3A_8] : memref<32x104x128xi32, #tpu.memory_space<hbm>> -> memref<1x104x128xi32, #tpu.memory_space<hbm>>
    %dma_wait3A_10 = tpu.memref_squeeze %dma_wait3A_9 : memref<1x104x128xi32, #tpu.memory_space<hbm>> -> memref<104x128xi32, #tpu.memory_space<hbm>>
    %dma_wait3A_11 = arith.constant 0 : i32
    %dma_wait3A_12 = arith.constant 0 : i32
    %dma_wait3A_13 = tpu.memref_slice %arg2[%add3A, %dma_wait3A_11, %dma_wait3A_12] : memref<32x104x128xi32, #tpu.memory_space<hbm>> -> memref<1x104x128xi32, #tpu.memory_space<hbm>>
    %dma_wait3A_14 = tpu.memref_squeeze %dma_wait3A_13 : memref<1x104x128xi32, #tpu.memory_space<hbm>> -> memref<104x128xi32, #tpu.memory_space<hbm>>
    tpu.wait_dma2 semaphore(%arg8 : memref<!tpu.dma_semaphore, #tpu.memory_space<semaphore_mem>>) src(%dma_wait3A_14 : memref<104x128xi32, #tpu.memory_space<hbm>>) dst(%arg5 : memref<104x128xi32, #tpu.memory_space<vmem>>)
    %dma_start3A_15 = arith.constant 0 : i32
    %dma_start3A_16 = arith.constant 0 : i32
    %dma_start3A_17 = arith.constant 0 : i32
    %dma_start3A_18 = arith.constant 0 : i32
    %dma_start3A_19 = arith.constant 0 : i32
    %dma_start3A_20 = tpu.memref_slice %arg6[%dma_start3A_16, %dma_start3A_18, %dma_start3A_19] : memref<4x128x32xf32, #tpu.memory_space<vmem>> -> memref<1x128x32xf32, #tpu.memory_space<vmem>>
    %dma_start3A_21 = tpu.memref_squeeze %dma_start3A_20 : memref<1x128x32xf32, #tpu.memory_space<vmem>> -> memref<128x32xf32, #tpu.memory_space<vmem>>
    %dma_start3A_22 = arith.constant 0 : i32
    %dma_start3A_23 = tpu.memref_slice %arg5[%dma_start3A_15, %dma_start3A_22] : memref<104x128xi32, #tpu.memory_space<vmem>> -> memref<1x128xi32, #tpu.memory_space<vmem>>
    %dma_start3A_24 = tpu.memref_squeeze %dma_start3A_23 : memref<1x128xi32, #tpu.memory_space<vmem>> -> memref<128xi32, #tpu.memory_space<vmem>>
    %dma_start3A_25 = arith.constant 0 : i32
    %dma_start3A_26 = arith.constant 0 : i32
    %dma_start3A_27 = tpu.memref_slice %arg3[%dma_start3A_25, %dma_start3A_26] : memref<2600000x32xf32, #tpu.memory_space<hbm>> -> memref<2600000x32xf32, #tpu.memory_space<hbm>>
    %dma_start3A_28 = tpu.memref_slice %arg9[%dma_start3A_17] : memref<4x!tpu.dma_semaphore, #tpu.memory_space<semaphore_mem>> -> memref<1x!tpu.dma_semaphore, #tpu.memory_space<semaphore_mem>>
    %dma_start3A_29 = tpu.memref_squeeze %dma_start3A_28 : memref<1x!tpu.dma_semaphore, #tpu.memory_space<semaphore_mem>> -> memref<!tpu.dma_semaphore, #tpu.memory_space<semaphore_mem>>
    tpu.enqueue_indirect_dma source(%dma_start3A_27 : memref<2600000x32xf32, #tpu.memory_space<hbm>>) target(%dma_start3A_21 : memref<128x32xf32, #tpu.memory_space<vmem>>) offsets(%dma_start3A_24 : memref<128xi32, #tpu.memory_space<vmem>>) semaphore(%dma_start3A_29 : memref<!tpu.dma_semaphore, #tpu.memory_space<semaphore_mem>>)
    %dma_start3A_30 = arith.constant 1 : i32
    %dma_start3A_31 = arith.constant 1 : i32
    %dma_start3A_32 = arith.constant 1 : i32
    %dma_start3A_33 = arith.constant 0 : i32
    %dma_start3A_34 = arith.constant 0 : i32
    %dma_start3A_35 = tpu.memref_slice %arg6[%dma_start3A_31, %dma_start3A_33, %dma_start3A_34] : memref<4x128x32xf32, #tpu.memory_space<vmem>> -> memref<1x128x32xf32, #tpu.memory_space<vmem>>
    %dma_start3A_36 = tpu.memref_squeeze %dma_start3A_35 : memref<1x128x32xf32, #tpu.memory_space<vmem>> -> memref<128x32xf32, #tpu.memory_space<vmem>>
    %dma_start3A_37 = arith.constant 0 : i32
    %dma_start3A_38 = tpu.memref_slice %arg5[%dma_start3A_30, %dma_start3A_37] : memref<104x128xi32, #tpu.memory_space<vmem>> -> memref<1x128xi32, #tpu.memory_space<vmem>>
    %dma_start3A_39 = tpu.memref_squeeze %dma_start3A_38 : memref<1x128xi32, #tpu.memory_space<vmem>> -> memref<128xi32, #tpu.memory_space<vmem>>
    %dma_start3A_40 = arith.constant 0 : i32
    %dma_start3A_41 = arith.constant 0 : i32
    %dma_start3A_42 = tpu.memref_slice %arg3[%dma_start3A_40, %dma_start3A_41] : memref<2600000x32xf32, #tpu.memory_space<hbm>> -> memref<2600000x32xf32, #tpu.memory_space<hbm>>
    %dma_start3A_43 = tpu.memref_slice %arg9[%dma_start3A_32] : memref<4x!tpu.dma_semaphore, #tpu.memory_space<semaphore_mem>> -> memref<1x!tpu.dma_semaphore, #tpu.memory_space<semaphore_mem>>
    %dma_start3A_44 = tpu.memref_squeeze %dma_start3A_43 : memref<1x!tpu.dma_semaphore, #tpu.memory_space<semaphore_mem>> -> memref<!tpu.dma_semaphore, #tpu.memory_space<semaphore_mem>>
    tpu.enqueue_indirect_dma source(%dma_start3A_42 : memref<2600000x32xf32, #tpu.memory_space<hbm>>) target(%dma_start3A_36 : memref<128x32xf32, #tpu.memory_space<vmem>>) offsets(%dma_start3A_39 : memref<128xi32, #tpu.memory_space<vmem>>) semaphore(%dma_start3A_44 : memref<!tpu.dma_semaphore, #tpu.memory_space<semaphore_mem>>)
    %dma_start3A_45 = arith.constant 2 : i32
    %dma_start3A_46 = arith.constant 2 : i32
    %dma_start3A_47 = arith.constant 2 : i32
    %dma_start3A_48 = arith.constant 0 : i32
    %dma_start3A_49 = arith.constant 0 : i32
    %dma_start3A_50 = tpu.memref_slice %arg6[%dma_start3A_46, %dma_start3A_48, %dma_start3A_49] : memref<4x128x32xf32, #tpu.memory_space<vmem>> -> memref<1x128x32xf32, #tpu.memory_space<vmem>>
    %dma_start3A_51 = tpu.memref_squeeze %dma_start3A_50 : memref<1x128x32xf32, #tpu.memory_space<vmem>> -> memref<128x32xf32, #tpu.memory_space<vmem>>
    %dma_start3A_52 = arith.constant 0 : i32
    %dma_start3A_53 = tpu.memref_slice %arg5[%dma_start3A_45, %dma_start3A_52] : memref<104x128xi32, #tpu.memory_space<vmem>> -> memref<1x128xi32, #tpu.memory_space<vmem>>
    %dma_start3A_54 = tpu.memref_squeeze %dma_start3A_53 : memref<1x128xi32, #tpu.memory_space<vmem>> -> memref<128xi32, #tpu.memory_space<vmem>>
    %dma_start3A_55 = arith.constant 0 : i32
    %dma_start3A_56 = arith.constant 0 : i32
    %dma_start3A_57 = tpu.memref_slice %arg3[%dma_start3A_55, %dma_start3A_56] : memref<2600000x32xf32, #tpu.memory_space<hbm>> -> memref<2600000x32xf32, #tpu.memory_space<hbm>>
    %dma_start3A_58 = tpu.memref_slice %arg9[%dma_start3A_47] : memref<4x!tpu.dma_semaphore, #tpu.memory_space<semaphore_mem>> -> memref<1x!tpu.dma_semaphore, #tpu.memory_space<semaphore_mem>>
    %dma_start3A_59 = tpu.memref_squeeze %dma_start3A_58 : memref<1x!tpu.dma_semaphore, #tpu.memory_space<semaphore_mem>> -> memref<!tpu.dma_semaphore, #tpu.memory_space<semaphore_mem>>
    tpu.enqueue_indirect_dma source(%dma_start3A_57 : memref<2600000x32xf32, #tpu.memory_space<hbm>>) target(%dma_start3A_51 : memref<128x32xf32, #tpu.memory_space<vmem>>) offsets(%dma_start3A_54 : memref<128xi32, #tpu.memory_space<vmem>>) semaphore(%dma_start3A_59 : memref<!tpu.dma_semaphore, #tpu.memory_space<semaphore_mem>>)
    %dma_start3A_60 = arith.constant 3 : i32
    %dma_start3A_61 = arith.constant 3 : i32
    %dma_start3A_62 = arith.constant 3 : i32
    %dma_start3A_63 = arith.constant 0 : i32
    %dma_start3A_64 = arith.constant 0 : i32
    %dma_start3A_65 = tpu.memref_slice %arg6[%dma_start3A_61, %dma_start3A_63, %dma_start3A_64] : memref<4x128x32xf32, #tpu.memory_space<vmem>> -> memref<1x128x32xf32, #tpu.memory_space<vmem>>
    %dma_start3A_66 = tpu.memref_squeeze %dma_start3A_65 : memref<1x128x32xf32, #tpu.memory_space<vmem>> -> memref<128x32xf32, #tpu.memory_space<vmem>>
    %dma_start3A_67 = arith.constant 0 : i32
    %dma_start3A_68 = tpu.memref_slice %arg5[%dma_start3A_60, %dma_start3A_67] : memref<104x128xi32, #tpu.memory_space<vmem>> -> memref<1x128xi32, #tpu.memory_space<vmem>>
    %dma_start3A_69 = tpu.memref_squeeze %dma_start3A_68 : memref<1x128xi32, #tpu.memory_space<vmem>> -> memref<128xi32, #tpu.memory_space<vmem>>
    %dma_start3A_70 = arith.constant 0 : i32
    %dma_start3A_71 = arith.constant 0 : i32
    %dma_start3A_72 = tpu.memref_slice %arg3[%dma_start3A_70, %dma_start3A_71] : memref<2600000x32xf32, #tpu.memory_space<hbm>> -> memref<2600000x32xf32, #tpu.memory_space<hbm>>
    %dma_start3A_73 = tpu.memref_slice %arg9[%dma_start3A_62] : memref<4x!tpu.dma_semaphore, #tpu.memory_space<semaphore_mem>> -> memref<1x!tpu.dma_semaphore, #tpu.memory_space<semaphore_mem>>
    %dma_start3A_74 = tpu.memref_squeeze %dma_start3A_73 : memref<1x!tpu.dma_semaphore, #tpu.memory_space<semaphore_mem>> -> memref<!tpu.dma_semaphore, #tpu.memory_space<semaphore_mem>>
    tpu.enqueue_indirect_dma source(%dma_start3A_72 : memref<2600000x32xf32, #tpu.memory_space<hbm>>) target(%dma_start3A_66 : memref<128x32xf32, #tpu.memory_space<vmem>>) offsets(%dma_start3A_69 : memref<128xi32, #tpu.memory_space<vmem>>) semaphore(%dma_start3A_74 : memref<!tpu.dma_semaphore, #tpu.memory_space<semaphore_mem>>)
    %broadcast_in_dim3A = arith.constant 0.000000e+00 : f32
    %broadcast_in_dim3A_75 = vector.broadcast %broadcast_in_dim3A : f32 to vector<16xf32>
    %scan3A = arith.constant 0 : i32
    %scan3A_76 = arith.constant 0 : i32
    %scan3A_77 = arith.constant 64 : i32
    %scan3A_78 = arith.addi %scan3A_76, %scan3A_77 : i32
    %scan3A_79 = arith.constant 1 : i32
    scf.for %scan3A_97 = %scan3A_76 to %scan3A_78 step %scan3A_79  : i32 {
      %mul3A_98 = arith.constant 8 : i32
      %mul3A_99 = arith.muli %scan3A_97, %mul3A_98 : i32
      %add3A_100 = arith.constant 0 : i32
      %add3A_101 = arith.addi %mul3A_99, %add3A_100 : i32
      %swap3A = arith.index_cast %add3A_101 : i32 to index
      %swap3A_102 = arith.constant 0 : index
      %swap3A_103 = tpu.vector_load %arg7[%swap3A, %swap3A_102] {strides = array<i32>} : memref<512x32xf32, #tpu.memory_space<vmem>>, vector<1x16xf32>,
      %swap3A_104 = vector.shape_cast %swap3A_103 : vector<1x16xf32> to vector<16xf32>
      %swap3A_105 = vector.shape_cast %broadcast_in_dim3A_75 : vector<16xf32> to vector<1x16xf32>
      tpu.vector_store %arg7[%swap3A, %swap3A_102], %swap3A_105 {strides = array<i32>} : memref<512x32xf32, #tpu.memory_space<vmem>>, vector<1x16xf32>,
      %mul3A_106 = arith.constant 8 : i32
      %mul3A_107 = arith.muli %scan3A_97, %mul3A_106 : i32
      %add3A_108 = arith.constant 0 : i32
      %add3A_109 = arith.addi %mul3A_107, %add3A_108 : i32
      %swap3A_110 = arith.index_cast %add3A_109 : i32 to index
      %swap3A_111 = arith.constant 16 : index
      %swap3A_112 = tpu.vector_load %arg7[%swap3A_110, %swap3A_111] {strides = array<i32>} : memref<512x32xf32, #tpu.memory_space<vmem>>, vector<1x16xf32>,
      %swap3A_113 = vector.shape_cast %swap3A_112 : vector<1x16xf32> to vector<16xf32>
      %swap3A_114 = vector.shape_cast %broadcast_in_dim3A_75 : vector<16xf32> to vector<1x16xf32>
      tpu.vector_store %arg7[%swap3A_110, %swap3A_111], %swap3A_114 {strides = array<i32>} : memref<512x32xf32, #tpu.memory_space<vmem>>, vector<1x16xf32>,
      %mul3A_115 = arith.constant 8 : i32
      %mul3A_116 = arith.muli %scan3A_97, %mul3A_115 : i32
      %add3A_117 = arith.constant 1 : i32
      %add3A_118 = arith.addi %mul3A_116, %add3A_117 : i32
      %swap3A_119 = arith.index_cast %add3A_118 : i32 to index
      %swap3A_120 = arith.constant 0 : index
      %swap3A_121 = tpu.vector_load %arg7[%swap3A_119, %swap3A_120] {strides = array<i32>} : memref<512x32xf32, #tpu.memory_space<vmem>>, vector<1x16xf32>,
      %swap3A_122 = vector.shape_cast %swap3A_121 : vector<1x16xf32> to vector<16xf32>
      %swap3A_123 = vector.shape_cast %broadcast_in_dim3A_75 : vector<16xf32> to vector<1x16xf32>
      tpu.vector_store %arg7[%swap3A_119, %swap3A_120], %swap3A_123 {strides = array<i32>} : memref<512x32xf32, #tpu.memory_space<vmem>>, vector<1x16xf32>,
      %mul3A_124 = arith.constant 8 : i32
      %mul3A_125 = arith.muli %scan3A_97, %mul3A_124 : i32
      %add3A_126 = arith.constant 1 : i32
      %add3A_127 = arith.addi %mul3A_125, %add3A_126 : i32
      %swap3A_128 = arith.index_cast %add3A_127 : i32 to index
      %swap3A_129 = arith.constant 16 : index
      %swap3A_130 = tpu.vector_load %arg7[%swap3A_128, %swap3A_129] {strides = array<i32>} : memref<512x32xf32, #tpu.memory_space<vmem>>, vector<1x16xf32>,
      %swap3A_131 = vector.shape_cast %swap3A_130 : vector<1x16xf32> to vector<16xf32>
      %swap3A_132 = vector.shape_cast %broadcast_in_dim3A_75 : vector<16xf32> to vector<1x16xf32>
      tpu.vector_store %arg7[%swap3A_128, %swap3A_129], %swap3A_132 {strides = array<i32>} : memref<512x32xf32, #tpu.memory_space<vmem>>, vector<1x16xf32>,
      %mul3A_133 = arith.constant 8 : i32
      %mul3A_134 = arith.muli %scan3A_97, %mul3A_133 : i32
      %add3A_135 = arith.constant 2 : i32
      %add3A_136 = arith.addi %mul3A_134, %add3A_135 : i32
      %swap3A_137 = arith.index_cast %add3A_136 : i32 to index
      %swap3A_138 = arith.constant 0 : index
      %swap3A_139 = tpu.vector_load %arg7[%swap3A_137, %swap3A_138] {strides = array<i32>} : memref<512x32xf32, #tpu.memory_space<vmem>>, vector<1x16xf32>,
      %swap3A_140 = vector.shape_cast %swap3A_139 : vector<1x16xf32> to vector<16xf32>
      %swap3A_141 = vector.shape_cast %broadcast_in_dim3A_75 : vector<16xf32> to vector<1x16xf32>
      tpu.vector_store %arg7[%swap3A_137, %swap3A_138], %swap3A_141 {strides = array<i32>} : memref<512x32xf32, #tpu.memory_space<vmem>>, vector<1x16xf32>,
      %mul3A_142 = arith.constant 8 : i32
      %mul3A_143 = arith.muli %scan3A_97, %mul3A_142 : i32
      %add3A_144 = arith.constant 2 : i32
      %add3A_145 = arith.addi %mul3A_143, %add3A_144 : i32
      %swap3A_146 = arith.index_cast %add3A_145 : i32 to index
      %swap3A_147 = arith.constant 16 : index
      %swap3A_148 = tpu.vector_load %arg7[%swap3A_146, %swap3A_147] {strides = array<i32>} : memref<512x32xf32, #tpu.memory_space<vmem>>, vector<1x16xf32>,
      %swap3A_149 = vector.shape_cast %swap3A_148 : vector<1x16xf32> to vector<16xf32>
      %swap3A_150 = vector.shape_cast %broadcast_in_dim3A_75 : vector<16xf32> to vector<1x16xf32>
      tpu.vector_store %arg7[%swap3A_146, %swap3A_147], %swap3A_150 {strides = array<i32>} : memref<512x32xf32, #tpu.memory_space<vmem>>, vector<1x16xf32>,
      %mul3A_151 = arith.constant 8 : i32
      %mul3A_152 = arith.muli %scan3A_97, %mul3A_151 : i32
      %add3A_153 = arith.constant 3 : i32
      %add3A_154 = arith.addi %mul3A_152, %add3A_153 : i32
      %swap3A_155 = arith.index_cast %add3A_154 : i32 to index
      %swap3A_156 = arith.constant 0 : index
      %swap3A_157 = tpu.vector_load %arg7[%swap3A_155, %swap3A_156] {strides = array<i32>} : memref<512x32xf32, #tpu.memory_space<vmem>>, vector<1x16xf32>,
      %swap3A_158 = vector.shape_cast %swap3A_157 : vector<1x16xf32> to vector<16xf32>
      %swap3A_159 = vector.shape_cast %broadcast_in_dim3A_75 : vector<16xf32> to vector<1x16xf32>
      tpu.vector_store %arg7[%swap3A_155, %swap3A_156], %swap3A_159 {strides = array<i32>} : memref<512x32xf32, #tpu.memory_space<vmem>>, vector<1x16xf32>,
      %mul3A_160 = arith.constant 8 : i32
      %mul3A_161 = arith.muli %scan3A_97, %mul3A_160 : i32
      %add3A_162 = arith.constant 3 : i32
      %add3A_163 = arith.addi %mul3A_161, %add3A_162 : i32
      %swap3A_164 = arith.index_cast %add3A_163 : i32 to index
      %swap3A_165 = arith.constant 16 : index
      %swap3A_166 = tpu.vector_load %arg7[%swap3A_164, %swap3A_165] {strides = array<i32>} : memref<512x32xf32, #tpu.memory_space<vmem>>, vector<1x16xf32>,
      %swap3A_167 = vector.shape_cast %swap3A_166 : vector<1x16xf32> to vector<16xf32>
      %swap3A_168 = vector.shape_cast %broadcast_in_dim3A_75 : vector<16xf32> to vector<1x16xf32>
      tpu.vector_store %arg7[%swap3A_164, %swap3A_165], %swap3A_168 {strides = array<i32>} : memref<512x32xf32, #tpu.memory_space<vmem>>, vector<1x16xf32>,
      %mul3A_169 = arith.constant 8 : i32
      %mul3A_170 = arith.muli %scan3A_97, %mul3A_169 : i32
      %add3A_171 = arith.constant 4 : i32
      %add3A_172 = arith.addi %mul3A_170, %add3A_171 : i32
      %swap3A_173 = arith.index_cast %add3A_172 : i32 to index
      %swap3A_174 = arith.constant 0 : index
      %swap3A_175 = tpu.vector_load %arg7[%swap3A_173, %swap3A_174] {strides = array<i32>} : memref<512x32xf32, #tpu.memory_space<vmem>>, vector<1x16xf32>,
      %swap3A_176 = vector.shape_cast %swap3A_175 : vector<1x16xf32> to vector<16xf32>
      %swap3A_177 = vector.shape_cast %broadcast_in_dim3A_75 : vector<16xf32> to vector<1x16xf32>
      tpu.vector_store %arg7[%swap3A_173, %swap3A_174], %swap3A_177 {strides = array<i32>} : memref<512x32xf32, #tpu.memory_space<vmem>>, vector<1x16xf32>,
      %mul3A_178 = arith.constant 8 : i32
      %mul3A_179 = arith.muli %scan3A_97, %mul3A_178 : i32
      %add3A_180 = arith.constant 4 : i32
      %add3A_181 = arith.addi %mul3A_179, %add3A_180 : i32
      %swap3A_182 = arith.index_cast %add3A_181 : i32 to index
      %swap3A_183 = arith.constant 16 : index
      %swap3A_184 = tpu.vector_load %arg7[%swap3A_182, %swap3A_183] {strides = array<i32>} : memref<512x32xf32, #tpu.memory_space<vmem>>, vector<1x16xf32>,
      %swap3A_185 = vector.shape_cast %swap3A_184 : vector<1x16xf32> to vector<16xf32>
      %swap3A_186 = vector.shape_cast %broadcast_in_dim3A_75 : vector<16xf32> to vector<1x16xf32>
      tpu.vector_store %arg7[%swap3A_182, %swap3A_183], %swap3A_186 {strides = array<i32>} : memref<512x32xf32, #tpu.memory_space<vmem>>, vector<1x16xf32>,
      %mul3A_187 = arith.constant 8 : i32
      %mul3A_188 = arith.muli %scan3A_97, %mul3A_187 : i32
      %add3A_189 = arith.constant 5 : i32
      %add3A_190 = arith.addi %mul3A_188, %add3A_189 : i32
      %swap3A_191 = arith.index_cast %add3A_190 : i32 to index
      %swap3A_192 = arith.constant 0 : index
      %swap3A_193 = tpu.vector_load %arg7[%swap3A_191, %swap3A_192] {strides = array<i32>} : memref<512x32xf32, #tpu.memory_space<vmem>>, vector<1x16xf32>,
      %swap3A_194 = vector.shape_cast %swap3A_193 : vector<1x16xf32> to vector<16xf32>
      %swap3A_195 = vector.shape_cast %broadcast_in_dim3A_75 : vector<16xf32> to vector<1x16xf32>
      tpu.vector_store %arg7[%swap3A_191, %swap3A_192], %swap3A_195 {strides = array<i32>} : memref<512x32xf32, #tpu.memory_space<vmem>>, vector<1x16xf32>,
      %mul3A_196 = arith.constant 8 : i32
      %mul3A_197 = arith.muli %scan3A_97, %mul3A_196 : i32
      %add3A_198 = arith.constant 5 : i32
      %add3A_199 = arith.addi %mul3A_197, %add3A_198 : i32
      %swap3A_200 = arith.index_cast %add3A_199 : i32 to index
      %swap3A_201 = arith.constant 16 : index
      %swap3A_202 = tpu.vector_load %arg7[%swap3A_200, %swap3A_201] {strides = array<i32>} : memref<512x32xf32, #tpu.memory_space<vmem>>, vector<1x16xf32>,
      %swap3A_203 = vector.shape_cast %swap3A_202 : vector<1x16xf32> to vector<16xf32>
      %swap3A_204 = vector.shape_cast %broadcast_in_dim3A_75 : vector<16xf32> to vector<1x16xf32>
      tpu.vector_store %arg7[%swap3A_200, %swap3A_201], %swap3A_204 {strides = array<i32>} : memref<512x32xf32, #tpu.memory_space<vmem>>, vector<1x16xf32>,
      %mul3A_205 = arith.constant 8 : i32
      %mul3A_206 = arith.muli %scan3A_97, %mul3A_205 : i32
      %add3A_207 = arith.constant 6 : i32
      %add3A_208 = arith.addi %mul3A_206, %add3A_207 : i32
      %swap3A_209 = arith.index_cast %add3A_208 : i32 to index
      %swap3A_210 = arith.constant 0 : index
      %swap3A_211 = tpu.vector_load %arg7[%swap3A_209, %swap3A_210] {strides = array<i32>} : memref<512x32xf32, #tpu.memory_space<vmem>>, vector<1x16xf32>,
      %swap3A_212 = vector.shape_cast %swap3A_211 : vector<1x16xf32> to vector<16xf32>
      %swap3A_213 = vector.shape_cast %broadcast_in_dim3A_75 : vector<16xf32> to vector<1x16xf32>
      tpu.vector_store %arg7[%swap3A_209, %swap3A_210], %swap3A_213 {strides = array<i32>} : memref<512x32xf32, #tpu.memory_space<vmem>>, vector<1x16xf32>,
      %mul3A_214 = arith.constant 8 : i32
      %mul3A_215 = arith.muli %scan3A_97, %mul3A_214 : i32
      %add3A_216 = arith.constant 6 : i32
      %add3A_217 = arith.addi %mul3A_215, %add3A_216 : i32
      %swap3A_218 = arith.index_cast %add3A_217 : i32 to index
      %swap3A_219 = arith.constant 16 : index
      %swap3A_220 = tpu.vector_load %arg7[%swap3A_218, %swap3A_219] {strides = array<i32>} : memref<512x32xf32, #tpu.memory_space<vmem>>, vector<1x16xf32>,
      %swap3A_221 = vector.shape_cast %swap3A_220 : vector<1x16xf32> to vector<16xf32>
      %swap3A_222 = vector.shape_cast %broadcast_in_dim3A_75 : vector<16xf32> to vector<1x16xf32>
      tpu.vector_store %arg7[%swap3A_218, %swap3A_219], %swap3A_222 {strides = array<i32>} : memref<512x32xf32, #tpu.memory_space<vmem>>, vector<1x16xf32>,
      %mul3A_223 = arith.constant 8 : i32
      %mul3A_224 = arith.muli %scan3A_97, %mul3A_223 : i32
      %add3A_225 = arith.constant 7 : i32
      %add3A_226 = arith.addi %mul3A_224, %add3A_225 : i32
      %swap3A_227 = arith.index_cast %add3A_226 : i32 to index
      %swap3A_228 = arith.constant 0 : index
      %swap3A_229 = tpu.vector_load %arg7[%swap3A_227, %swap3A_228] {strides = array<i32>} : memref<512x32xf32, #tpu.memory_space<vmem>>, vector<1x16xf32>,
      %swap3A_230 = vector.shape_cast %swap3A_229 : vector<1x16xf32> to vector<16xf32>
      %swap3A_231 = vector.shape_cast %broadcast_in_dim3A_75 : vector<16xf32> to vector<1x16xf32>
      tpu.vector_store %arg7[%swap3A_227, %swap3A_228], %swap3A_231 {strides = array<i32>} : memref<512x32xf32, #tpu.memory_space<vmem>>, vector<1x16xf32>,
      %mul3A_232 = arith.constant 8 : i32
      %mul3A_233 = arith.muli %scan3A_97, %mul3A_232 : i32
      %add3A_234 = arith.constant 7 : i32
      %add3A_235 = arith.addi %mul3A_233, %add3A_234 : i32
      %swap3A_236 = arith.index_cast %add3A_235 : i32 to index
      %swap3A_237 = arith.constant 16 : index
      %swap3A_238 = tpu.vector_load %arg7[%swap3A_236, %swap3A_237] {strides = array<i32>} : memref<512x32xf32, #tpu.memory_space<vmem>>, vector<1x16xf32>,
      %swap3A_239 = vector.shape_cast %swap3A_238 : vector<1x16xf32> to vector<16xf32>
      %swap3A_240 = vector.shape_cast %broadcast_in_dim3A_75 : vector<16xf32> to vector<1x16xf32>
      tpu.vector_store %arg7[%swap3A_236, %swap3A_237], %swap3A_240 {strides = array<i32>} : memref<512x32xf32, #tpu.memory_space<vmem>>, vector<1x16xf32>,
    }
    %scan3A_80 = arith.constant 64 : i32
    %scan3A_81 = arith.constant 0 : i32
    %scan3A_82 = arith.constant 0 : i32
    %scan3A_83 = arith.constant 26 : i32
    %scan3A_84 = arith.addi %scan3A_82, %scan3A_83 : i32
    %scan3A_85 = arith.constant 1 : i32
    scf.for %scan3A_97 = %scan3A_82 to %scan3A_84 step %scan3A_85  : i32 {
      %mul3A_98 = arith.constant 4 : i32
      %mul3A_99 = arith.muli %scan3A_97, %mul3A_98 : i32
      %add3A_100 = arith.constant 0 : i32
      %add3A_101 = arith.addi %mul3A_99, %add3A_100 : i32
      %dma_wait3A_102 = arith.constant 0 : i32
      %dma_wait3A_103 = arith.constant 0 : i32
      %dma_wait3A_104 = arith.constant 0 : i32
      %dma_wait3A_105 = arith.constant 0 : i32
      %dma_wait3A_106 = tpu.memref_slice %arg6[%dma_wait3A_102, %dma_wait3A_104, %dma_wait3A_105] : memref<4x128x32xf32, #tpu.memory_space<vmem>> -> memref<1x128x32xf32, #tpu.memory_space<vmem>>
      %dma_wait3A_107 = tpu.memref_squeeze %dma_wait3A_106 : memref<1x128x32xf32, #tpu.memory_space<vmem>> -> memref<128x32xf32, #tpu.memory_space<vmem>>
      %dma_wait3A_108 = arith.constant 0 : i32
      %dma_wait3A_109 = tpu.memref_slice %arg5[%add3A_101, %dma_wait3A_108] : memref<104x128xi32, #tpu.memory_space<vmem>> -> memref<1x128xi32, #tpu.memory_space<vmem>>
      %dma_wait3A_110 = tpu.memref_squeeze %dma_wait3A_109 : memref<1x128xi32, #tpu.memory_space<vmem>> -> memref<128xi32, #tpu.memory_space<vmem>>
      %dma_wait3A_111 = arith.constant 0 : i32
      %dma_wait3A_112 = arith.constant 0 : i32
      %dma_wait3A_113 = tpu.memref_slice %arg3[%dma_wait3A_111, %dma_wait3A_112] : memref<2600000x32xf32, #tpu.memory_space<hbm>> -> memref<2600000x32xf32, #tpu.memory_space<hbm>>
      %dma_wait3A_114 = tpu.memref_slice %arg9[%dma_wait3A_103] : memref<4x!tpu.dma_semaphore, #tpu.memory_space<semaphore_mem>> -> memref<1x!tpu.dma_semaphore, #tpu.memory_space<semaphore_mem>>
      %dma_wait3A_115 = tpu.memref_squeeze %dma_wait3A_114 : memref<1x!tpu.dma_semaphore, #tpu.memory_space<semaphore_mem>> -> memref<!tpu.dma_semaphore, #tpu.memory_space<semaphore_mem>>
      tpu.wait_indirect_dma semaphore(%dma_wait3A_115 : memref<!tpu.dma_semaphore, #tpu.memory_space<semaphore_mem>>) src(%dma_wait3A_113 : memref<2600000x32xf32, #tpu.memory_space<hbm>>) dst(%dma_wait3A_107 : memref<128x32xf32, #tpu.memory_space<vmem>>)
      %jit3A = arith.constant 4 : i32
      %eq3A = arith.constant 0 : i32
      %eq3A_116 = arith.cmpi eq, %jit3A, %eq3A : i32
      %jit3A_117 = arith.constant 1 : i32
      %select_n3A = arith.select %eq3A_116, %jit3A_117, %jit3A : i32
      %rem3A = arith.remsi %add3A_101, %select_n3A : i32
      %ne3A = arith.constant 0 : i32
      %ne3A_118 = arith.cmpi ne, %rem3A, %ne3A : i32
      %lt3A = arith.constant 0 : i32
      %lt3A_119 = arith.cmpi slt, %rem3A, %lt3A : i32
      %lt3A_120 = arith.constant 0 : i32
      %lt3A_121 = arith.cmpi slt, %select_n3A, %lt3A_120 : i32
      %ne3A_122 = arith.xori %lt3A_119, %lt3A_121 : i1
      %and3A = arith.andi %ne3A_122, %ne3A_118 : i1
      %add3A_123 = arith.addi %rem3A, %select_n3A : i32
      %select_n3A_124 = arith.select %and3A, %add3A_123, %rem3A : i32
      %mul3A_125 = arith.constant 128 : i32
      %mul3A_126 = arith.muli %select_n3A_124, %mul3A_125 : i32
      %scan3A_127 = arith.constant 0 : i32
      %scan3A_128 = arith.constant 0 : i32
      %scan3A_129 = arith.constant 32 : i32
      %scan3A_130 = arith.addi %scan3A_128, %scan3A_129 : i32
      %scan3A_131 = arith.constant 1 : i32
      scf.for %scan3A_285 = %scan3A_128 to %scan3A_130 step %scan3A_131  : i32 {
        %mul3A_286 = arith.constant 4 : i32
        %mul3A_287 = arith.muli %scan3A_285, %mul3A_286 : i32
        %add3A_288 = arith.addi %mul3A_126, %mul3A_287 : i32
        %mul3A_289 = arith.constant 4 : i32
        %mul3A_290 = arith.muli %scan3A_285, %mul3A_289 : i32
        %add3A_291 = arith.constant 0 : i32
        %add3A_292 = arith.addi %mul3A_290, %add3A_291 : i32
        %get3A = arith.constant 0 : i32
        %get3A_293 = arith.index_cast %get3A : i32 to index
        %get3A_294 = arith.index_cast %add3A_292 : i32 to index
        %get3A_295 = arith.constant 0 : index
        %get3A_296 = tpu.vector_load %arg6[%get3A_293, %get3A_294, %get3A_295] {strides = array<i32>} : memref<4x128x32xf32, #tpu.memory_space<vmem>>, vector<1x1x16xf32>,
        %get3A_297 = vector.shape_cast %get3A_296 : vector<1x1x16xf32> to vector<16xf32>
        %mul3A_298 = arith.constant 4 : i32
        %mul3A_299 = arith.muli %scan3A_285, %mul3A_298 : i32
        %add3A_300 = arith.constant 0 : i32
        %add3A_301 = arith.addi %mul3A_299, %add3A_300 : i32
        %get3A_302 = arith.constant 0 : i32
        %get3A_303 = arith.index_cast %get3A_302 : i32 to index
        %get3A_304 = arith.index_cast %add3A_301 : i32 to index
        %get3A_305 = arith.constant 16 : index
        %get3A_306 = tpu.vector_load %arg6[%get3A_303, %get3A_304, %get3A_305] {strides = array<i32>} : memref<4x128x32xf32, #tpu.memory_space<vmem>>, vector<1x1x16xf32>,
        %get3A_307 = vector.shape_cast %get3A_306 : vector<1x1x16xf32> to vector<16xf32>
        %add3A_308 = arith.constant 0 : i32
        %add3A_309 = arith.addi %add3A_288, %add3A_308 : i32
        %swap3A = arith.index_cast %add3A_309 : i32 to index
        %swap3A_310 = arith.constant 0 : index
        %swap3A_311 = tpu.vector_load %arg7[%swap3A, %swap3A_310] {strides = array<i32>} : memref<512x32xf32, #tpu.memory_space<vmem>>, vector<1x16xf32>,
        %swap3A_312 = vector.shape_cast %swap3A_311 : vector<1x16xf32> to vector<16xf32>
        %swap3A_313 = vector.shape_cast %get3A_297 : vector<16xf32> to vector<1x16xf32>
        tpu.vector_store %arg7[%swap3A, %swap3A_310], %swap3A_313 {add = true, strides = array<i32>} : memref<512x32xf32, #tpu.memory_space<vmem>>, vector<1x16xf32>,
        %add3A_314 = arith.constant 0 : i32
        %add3A_315 = arith.addi %add3A_288, %add3A_314 : i32
        %swap3A_316 = arith.index_cast %add3A_315 : i32 to index
        %swap3A_317 = arith.constant 16 : index
        %swap3A_318 = tpu.vector_load %arg7[%swap3A_316, %swap3A_317] {strides = array<i32>} : memref<512x32xf32, #tpu.memory_space<vmem>>, vector<1x16xf32>,
        %swap3A_319 = vector.shape_cast %swap3A_318 : vector<1x16xf32> to vector<16xf32>
        %swap3A_320 = vector.shape_cast %get3A_307 : vector<16xf32> to vector<1x16xf32>
        tpu.vector_store %arg7[%swap3A_316, %swap3A_317], %swap3A_320 {add = true, strides = array<i32>} : memref<512x32xf32, #tpu.memory_space<vmem>>, vector<1x16xf32>,
        %mul3A_321 = arith.constant 4 : i32
        %mul3A_322 = arith.muli %scan3A_285, %mul3A_321 : i32
        %add3A_323 = arith.constant 1 : i32
        %add3A_324 = arith.addi %mul3A_322, %add3A_323 : i32
        %get3A_325 = arith.constant 0 : i32
        %get3A_326 = arith.index_cast %get3A_325 : i32 to index
        %get3A_327 = arith.index_cast %add3A_324 : i32 to index
        %get3A_328 = arith.constant 0 : index
        %get3A_329 = tpu.vector_load %arg6[%get3A_326, %get3A_327, %get3A_328] {strides = array<i32>} : memref<4x128x32xf32, #tpu.memory_space<vmem>>, vector<1x1x16xf32>,
        %get3A_330 = vector.shape_cast %get3A_329 : vector<1x1x16xf32> to vector<16xf32>
        %mul3A_331 = arith.constant 4 : i32
        %mul3A_332 = arith.muli %scan3A_285, %mul3A_331 : i32
        %add3A_333 = arith.constant 1 : i32
        %add3A_334 = arith.addi %mul3A_332, %add3A_333 : i32
        %get3A_335 = arith.constant 0 : i32
        %get3A_336 = arith.index_cast %get3A_335 : i32 to index
        %get3A_337 = arith.index_cast %add3A_334 : i32 to index
        %get3A_338 = arith.constant 16 : index
        %get3A_339 = tpu.vector_load %arg6[%get3A_336, %get3A_337, %get3A_338] {strides = array<i32>} : memref<4x128x32xf32, #tpu.memory_space<vmem>>, vector<1x1x16xf32>,
        %get3A_340 = vector.shape_cast %get3A_339 : vector<1x1x16xf32> to vector<16xf32>
        %add3A_341 = arith.constant 1 : i32
        %add3A_342 = arith.addi %add3A_288, %add3A_341 : i32
        %swap3A_343 = arith.index_cast %add3A_342 : i32 to index
        %swap3A_344 = arith.constant 0 : index
        %swap3A_345 = tpu.vector_load %arg7[%swap3A_343, %swap3A_344] {strides = array<i32>} : memref<512x32xf32, #tpu.memory_space<vmem>>, vector<1x16xf32>,
        %swap3A_346 = vector.shape_cast %swap3A_345 : vector<1x16xf32> to vector<16xf32>
        %swap3A_347 = vector.shape_cast %get3A_330 : vector<16xf32> to vector<1x16xf32>
        tpu.vector_store %arg7[%swap3A_343, %swap3A_344], %swap3A_347 {add = true, strides = array<i32>} : memref<512x32xf32, #tpu.memory_space<vmem>>, vector<1x16xf32>,
        %add3A_348 = arith.constant 1 : i32
        %add3A_349 = arith.addi %add3A_288, %add3A_348 : i32
        %swap3A_350 = arith.index_cast %add3A_349 : i32 to index
        %swap3A_351 = arith.constant 16 : index
        %swap3A_352 = tpu.vector_load %arg7[%swap3A_350, %swap3A_351] {strides = array<i32>} : memref<512x32xf32, #tpu.memory_space<vmem>>, vector<1x16xf32>,
        %swap3A_353 = vector.shape_cast %swap3A_352 : vector<1x16xf32> to vector<16xf32>
        %swap3A_354 = vector.shape_cast %get3A_340 : vector<16xf32> to vector<1x16xf32>
        tpu.vector_store %arg7[%swap3A_350, %swap3A_351], %swap3A_354 {add = true, strides = array<i32>} : memref<512x32xf32, #tpu.memory_space<vmem>>, vector<1x16xf32>,
        %mul3A_355 = arith.constant 4 : i32
        %mul3A_356 = arith.muli %scan3A_285, %mul3A_355 : i32
        %add3A_357 = arith.constant 2 : i32
        %add3A_358 = arith.addi %mul3A_356, %add3A_357 : i32
        %get3A_359 = arith.constant 0 : i32
        %get3A_360 = arith.index_cast %get3A_359 : i32 to index
        %get3A_361 = arith.index_cast %add3A_358 : i32 to index
        %get3A_362 = arith.constant 0 : index
        %get3A_363 = tpu.vector_load %arg6[%get3A_360, %get3A_361, %get3A_362] {strides = array<i32>} : memref<4x128x32xf32, #tpu.memory_space<vmem>>, vector<1x1x16xf32>,
        %get3A_364 = vector.shape_cast %get3A_363 : vector<1x1x16xf32> to vector<16xf32>
        %mul3A_365 = arith.constant 4 : i32
        %mul3A_366 = arith.muli %scan3A_285, %mul3A_365 : i32
        %add3A_367 = arith.constant 2 : i32
        %add3A_368 = arith.addi %mul3A_366, %add3A_367 : i32
        %get3A_369 = arith.constant 0 : i32
        %get3A_370 = arith.index_cast %get3A_369 : i32 to index
        %get3A_371 = arith.index_cast %add3A_368 : i32 to index
        %get3A_372 = arith.constant 16 : index
        %get3A_373 = tpu.vector_load %arg6[%get3A_370, %get3A_371, %get3A_372] {strides = array<i32>} : memref<4x128x32xf32, #tpu.memory_space<vmem>>, vector<1x1x16xf32>,
        %get3A_374 = vector.shape_cast %get3A_373 : vector<1x1x16xf32> to vector<16xf32>
        %add3A_375 = arith.constant 2 : i32
        %add3A_376 = arith.addi %add3A_288, %add3A_375 : i32
        %swap3A_377 = arith.index_cast %add3A_376 : i32 to index
        %swap3A_378 = arith.constant 0 : index
        %swap3A_379 = tpu.vector_load %arg7[%swap3A_377, %swap3A_378] {strides = array<i32>} : memref<512x32xf32, #tpu.memory_space<vmem>>, vector<1x16xf32>,
        %swap3A_380 = vector.shape_cast %swap3A_379 : vector<1x16xf32> to vector<16xf32>
        %swap3A_381 = vector.shape_cast %get3A_364 : vector<16xf32> to vector<1x16xf32>
        tpu.vector_store %arg7[%swap3A_377, %swap3A_378], %swap3A_381 {add = true, strides = array<i32>} : memref<512x32xf32, #tpu.memory_space<vmem>>, vector<1x16xf32>,
        %add3A_382 = arith.constant 2 : i32
        %add3A_383 = arith.addi %add3A_288, %add3A_382 : i32
        %swap3A_384 = arith.index_cast %add3A_383 : i32 to index
        %swap3A_385 = arith.constant 16 : index
        %swap3A_386 = tpu.vector_load %arg7[%swap3A_384, %swap3A_385] {strides = array<i32>} : memref<512x32xf32, #tpu.memory_space<vmem>>, vector<1x16xf32>,
        %swap3A_387 = vector.shape_cast %swap3A_386 : vector<1x16xf32> to vector<16xf32>
        %swap3A_388 = vector.shape_cast %get3A_374 : vector<16xf32> to vector<1x16xf32>
        tpu.vector_store %arg7[%swap3A_384, %swap3A_385], %swap3A_388 {add = true, strides = array<i32>} : memref<512x32xf32, #tpu.memory_space<vmem>>, vector<1x16xf32>,
        %mul3A_389 = arith.constant 4 : i32
        %mul3A_390 = arith.muli %scan3A_285, %mul3A_389 : i32
        %add3A_391 = arith.constant 3 : i32
        %add3A_392 = arith.addi %mul3A_390, %add3A_391 : i32
        %get3A_393 = arith.constant 0 : i32
        %get3A_394 = arith.index_cast %get3A_393 : i32 to index
        %get3A_395 = arith.index_cast %add3A_392 : i32 to index
        %get3A_396 = arith.constant 0 : index
        %get3A_397 = tpu.vector_load %arg6[%get3A_394, %get3A_395, %get3A_396] {strides = array<i32>} : memref<4x128x32xf32, #tpu.memory_space<vmem>>, vector<1x1x16xf32>,
        %get3A_398 = vector.shape_cast %get3A_397 : vector<1x1x16xf32> to vector<16xf32>
        %mul3A_399 = arith.constant 4 : i32
        %mul3A_400 = arith.muli %scan3A_285, %mul3A_399 : i32
        %add3A_401 = arith.constant 3 : i32
        %add3A_402 = arith.addi %mul3A_400, %add3A_401 : i32
        %get3A_403 = arith.constant 0 : i32
        %get3A_404 = arith.index_cast %get3A_403 : i32 to index
        %get3A_405 = arith.index_cast %add3A_402 : i32 to index
        %get3A_406 = arith.constant 16 : index
        %get3A_407 = tpu.vector_load %arg6[%get3A_404, %get3A_405, %get3A_406] {strides = array<i32>} : memref<4x128x32xf32, #tpu.memory_space<vmem>>, vector<1x1x16xf32>,
        %get3A_408 = vector.shape_cast %get3A_407 : vector<1x1x16xf32> to vector<16xf32>
        %add3A_409 = arith.constant 3 : i32
        %add3A_410 = arith.addi %add3A_288, %add3A_409 : i32
        %swap3A_411 = arith.index_cast %add3A_410 : i32 to index
        %swap3A_412 = arith.constant 0 : index
        %swap3A_413 = tpu.vector_load %arg7[%swap3A_411, %swap3A_412] {strides = array<i32>} : memref<512x32xf32, #tpu.memory_space<vmem>>, vector<1x16xf32>,
        %swap3A_414 = vector.shape_cast %swap3A_413 : vector<1x16xf32> to vector<16xf32>
        %swap3A_415 = vector.shape_cast %get3A_398 : vector<16xf32> to vector<1x16xf32>
        tpu.vector_store %arg7[%swap3A_411, %swap3A_412], %swap3A_415 {add = true, strides = array<i32>} : memref<512x32xf32, #tpu.memory_space<vmem>>, vector<1x16xf32>,
        %add3A_416 = arith.constant 3 : i32
        %add3A_417 = arith.addi %add3A_288, %add3A_416 : i32
        %swap3A_418 = arith.index_cast %add3A_417 : i32 to index
        %swap3A_419 = arith.constant 16 : index
        %swap3A_420 = tpu.vector_load %arg7[%swap3A_418, %swap3A_419] {strides = array<i32>} : memref<512x32xf32, #tpu.memory_space<vmem>>, vector<1x16xf32>,
        %swap3A_421 = vector.shape_cast %swap3A_420 : vector<1x16xf32> to vector<16xf32>
        %swap3A_422 = vector.shape_cast %get3A_408 : vector<16xf32> to vector<1x16xf32>
        tpu.vector_store %arg7[%swap3A_418, %swap3A_419], %swap3A_422 {add = true, strides = array<i32>} : memref<512x32xf32, #tpu.memory_space<vmem>>, vector<1x16xf32>,
      }
      %scan3A_132 = arith.constant 32 : i32
      %add3A_133 = arith.constant 4 : i32
      %add3A_134 = arith.addi %add3A_101, %add3A_133 : i32
      %lt3A_135 = arith.constant 104 : i32
      %lt3A_136 = arith.cmpi slt, %add3A_134, %lt3A_135 : i32
      %convert_element_type3A = arith.extui %lt3A_136 : i1 to i32
      %cond3A = arith.constant 0 : i32
      %cond3A_137 = arith.cmpi ne, %convert_element_type3A, %cond3A : i32
      scf.if %cond3A_137 {
        %dma_start3A_285 = arith.constant 0 : i32
        %dma_start3A_286 = arith.constant 0 : i32
        %dma_start3A_287 = arith.constant 0 : i32
        %dma_start3A_288 = arith.constant 0 : i32
        %dma_start3A_289 = tpu.memref_slice %arg6[%dma_start3A_285, %dma_start3A_287, %dma_start3A_288] : memref<4x128x32xf32, #tpu.memory_space<vmem>> -> memref<1x128x32xf32, #tpu.memory_space<vmem>>
        %dma_start3A_290 = tpu.memref_squeeze %dma_start3A_289 : memref<1x128x32xf32, #tpu.memory_space<vmem>> -> memref<128x32xf32, #tpu.memory_space<vmem>>
        %dma_start3A_291 = arith.constant 0 : i32
        %dma_start3A_292 = tpu.memref_slice %arg5[%add3A_134, %dma_start3A_291] : memref<104x128xi32, #tpu.memory_space<vmem>> -> memref<1x128xi32, #tpu.memory_space<vmem>>
        %dma_start3A_293 = tpu.memref_squeeze %dma_start3A_292 : memref<1x128xi32, #tpu.memory_space<vmem>> -> memref<128xi32, #tpu.memory_space<vmem>>
        %dma_start3A_294 = arith.constant 0 : i32
        %dma_start3A_295 = arith.constant 0 : i32
        %dma_start3A_296 = tpu.memref_slice %arg3[%dma_start3A_294, %dma_start3A_295] : memref<2600000x32xf32, #tpu.memory_space<hbm>> -> memref<2600000x32xf32, #tpu.memory_space<hbm>>
        %dma_start3A_297 = tpu.memref_slice %arg9[%dma_start3A_286] : memref<4x!tpu.dma_semaphore, #tpu.memory_space<semaphore_mem>> -> memref<1x!tpu.dma_semaphore, #tpu.memory_space<semaphore_mem>>
        %dma_start3A_298 = tpu.memref_squeeze %dma_start3A_297 : memref<1x!tpu.dma_semaphore, #tpu.memory_space<semaphore_mem>> -> memref<!tpu.dma_semaphore, #tpu.memory_space<semaphore_mem>>
        tpu.enqueue_indirect_dma source(%dma_start3A_296 : memref<2600000x32xf32, #tpu.memory_space<hbm>>) target(%dma_start3A_290 : memref<128x32xf32, #tpu.memory_space<vmem>>) offsets(%dma_start3A_293 : memref<128xi32, #tpu.memory_space<vmem>>) semaphore(%dma_start3A_298 : memref<!tpu.dma_semaphore, #tpu.memory_space<semaphore_mem>>)
      } else {
      }
      %mul3A_138 = arith.constant 4 : i32
      %mul3A_139 = arith.muli %scan3A_97, %mul3A_138 : i32
      %add3A_140 = arith.constant 1 : i32
      %add3A_141 = arith.addi %mul3A_139, %add3A_140 : i32
      %dma_wait3A_142 = arith.constant 1 : i32
      %dma_wait3A_143 = arith.constant 1 : i32
      %dma_wait3A_144 = arith.constant 0 : i32
      %dma_wait3A_145 = arith.constant 0 : i32
      %dma_wait3A_146 = tpu.memref_slice %arg6[%dma_wait3A_142, %dma_wait3A_144, %dma_wait3A_145] : memref<4x128x32xf32, #tpu.memory_space<vmem>> -> memref<1x128x32xf32, #tpu.memory_space<vmem>>
      %dma_wait3A_147 = tpu.memref_squeeze %dma_wait3A_146 : memref<1x128x32xf32, #tpu.memory_space<vmem>> -> memref<128x32xf32, #tpu.memory_space<vmem>>
      %dma_wait3A_148 = arith.constant 0 : i32
      %dma_wait3A_149 = tpu.memref_slice %arg5[%add3A_141, %dma_wait3A_148] : memref<104x128xi32, #tpu.memory_space<vmem>> -> memref<1x128xi32, #tpu.memory_space<vmem>>
      %dma_wait3A_150 = tpu.memref_squeeze %dma_wait3A_149 : memref<1x128xi32, #tpu.memory_space<vmem>> -> memref<128xi32, #tpu.memory_space<vmem>>
      %dma_wait3A_151 = arith.constant 0 : i32
      %dma_wait3A_152 = arith.constant 0 : i32
      %dma_wait3A_153 = tpu.memref_slice %arg3[%dma_wait3A_151, %dma_wait3A_152] : memref<2600000x32xf32, #tpu.memory_space<hbm>> -> memref<2600000x32xf32, #tpu.memory_space<hbm>>
      %dma_wait3A_154 = tpu.memref_slice %arg9[%dma_wait3A_143] : memref<4x!tpu.dma_semaphore, #tpu.memory_space<semaphore_mem>> -> memref<1x!tpu.dma_semaphore, #tpu.memory_space<semaphore_mem>>
      %dma_wait3A_155 = tpu.memref_squeeze %dma_wait3A_154 : memref<1x!tpu.dma_semaphore, #tpu.memory_space<semaphore_mem>> -> memref<!tpu.dma_semaphore, #tpu.memory_space<semaphore_mem>>
      tpu.wait_indirect_dma semaphore(%dma_wait3A_155 : memref<!tpu.dma_semaphore, #tpu.memory_space<semaphore_mem>>) src(%dma_wait3A_153 : memref<2600000x32xf32, #tpu.memory_space<hbm>>) dst(%dma_wait3A_147 : memref<128x32xf32, #tpu.memory_space<vmem>>)
      %jit3A_156 = arith.constant 4 : i32
      %eq3A_157 = arith.constant 0 : i32
      %eq3A_158 = arith.cmpi eq, %jit3A_156, %eq3A_157 : i32
      %jit3A_159 = arith.constant 1 : i32
      %select_n3A_160 = arith.select %eq3A_158, %jit3A_159, %jit3A_156 : i32
      %rem3A_161 = arith.remsi %add3A_141, %select_n3A_160 : i32
      %ne3A_162 = arith.constant 0 : i32
      %ne3A_163 = arith.cmpi ne, %rem3A_161, %ne3A_162 : i32
      %lt3A_164 = arith.constant 0 : i32
      %lt3A_165 = arith.cmpi slt, %rem3A_161, %lt3A_164 : i32
      %lt3A_166 = arith.constant 0 : i32
      %lt3A_167 = arith.cmpi slt, %select_n3A_160, %lt3A_166 : i32
      %ne3A_168 = arith.xori %lt3A_165, %lt3A_167 : i1
      %and3A_169 = arith.andi %ne3A_168, %ne3A_163 : i1
      %add3A_170 = arith.addi %rem3A_161, %select_n3A_160 : i32
      %select_n3A_171 = arith.select %and3A_169, %add3A_170, %rem3A_161 : i32
      %mul3A_172 = arith.constant 128 : i32
      %mul3A_173 = arith.muli %select_n3A_171, %mul3A_172 : i32
      %scan3A_174 = arith.constant 0 : i32
      %scan3A_175 = arith.constant 0 : i32
      %scan3A_176 = arith.constant 32 : i32
      %scan3A_177 = arith.addi %scan3A_175, %scan3A_176 : i32
      %scan3A_178 = arith.constant 1 : i32
      scf.for %scan3A_285 = %scan3A_175 to %scan3A_177 step %scan3A_178  : i32 {
        %mul3A_286 = arith.constant 4 : i32
        %mul3A_287 = arith.muli %scan3A_285, %mul3A_286 : i32
        %add3A_288 = arith.addi %mul3A_173, %mul3A_287 : i32
        %mul3A_289 = arith.constant 4 : i32
        %mul3A_290 = arith.muli %scan3A_285, %mul3A_289 : i32
        %add3A_291 = arith.constant 0 : i32
        %add3A_292 = arith.addi %mul3A_290, %add3A_291 : i32
        %get3A = arith.constant 1 : i32
        %get3A_293 = arith.index_cast %get3A : i32 to index
        %get3A_294 = arith.index_cast %add3A_292 : i32 to index
        %get3A_295 = arith.constant 0 : index
        %get3A_296 = tpu.vector_load %arg6[%get3A_293, %get3A_294, %get3A_295] {strides = array<i32>} : memref<4x128x32xf32, #tpu.memory_space<vmem>>, vector<1x1x16xf32>,
        %get3A_297 = vector.shape_cast %get3A_296 : vector<1x1x16xf32> to vector<16xf32>
        %mul3A_298 = arith.constant 4 : i32
        %mul3A_299 = arith.muli %scan3A_285, %mul3A_298 : i32
        %add3A_300 = arith.constant 0 : i32
        %add3A_301 = arith.addi %mul3A_299, %add3A_300 : i32
        %get3A_302 = arith.constant 1 : i32
        %get3A_303 = arith.index_cast %get3A_302 : i32 to index
        %get3A_304 = arith.index_cast %add3A_301 : i32 to index
        %get3A_305 = arith.constant 16 : index
        %get3A_306 = tpu.vector_load %arg6[%get3A_303, %get3A_304, %get3A_305] {strides = array<i32>} : memref<4x128x32xf32, #tpu.memory_space<vmem>>, vector<1x1x16xf32>,
        %get3A_307 = vector.shape_cast %get3A_306 : vector<1x1x16xf32> to vector<16xf32>
        %add3A_308 = arith.constant 0 : i32
        %add3A_309 = arith.addi %add3A_288, %add3A_308 : i32
        %swap3A = arith.index_cast %add3A_309 : i32 to index
        %swap3A_310 = arith.constant 0 : index
        %swap3A_311 = tpu.vector_load %arg7[%swap3A, %swap3A_310] {strides = array<i32>} : memref<512x32xf32, #tpu.memory_space<vmem>>, vector<1x16xf32>,
        %swap3A_312 = vector.shape_cast %swap3A_311 : vector<1x16xf32> to vector<16xf32>
        %swap3A_313 = vector.shape_cast %get3A_297 : vector<16xf32> to vector<1x16xf32>
        tpu.vector_store %arg7[%swap3A, %swap3A_310], %swap3A_313 {add = true, strides = array<i32>} : memref<512x32xf32, #tpu.memory_space<vmem>>, vector<1x16xf32>,
        %add3A_314 = arith.constant 0 : i32
        %add3A_315 = arith.addi %add3A_288, %add3A_314 : i32
        %swap3A_316 = arith.index_cast %add3A_315 : i32 to index
        %swap3A_317 = arith.constant 16 : index
        %swap3A_318 = tpu.vector_load %arg7[%swap3A_316, %swap3A_317] {strides = array<i32>} : memref<512x32xf32, #tpu.memory_space<vmem>>, vector<1x16xf32>,
        %swap3A_319 = vector.shape_cast %swap3A_318 : vector<1x16xf32> to vector<16xf32>
        %swap3A_320 = vector.shape_cast %get3A_307 : vector<16xf32> to vector<1x16xf32>
        tpu.vector_store %arg7[%swap3A_316, %swap3A_317], %swap3A_320 {add = true, strides = array<i32>} : memref<512x32xf32, #tpu.memory_space<vmem>>, vector<1x16xf32>,
        %mul3A_321 = arith.constant 4 : i32
        %mul3A_322 = arith.muli %scan3A_285, %mul3A_321 : i32
        %add3A_323 = arith.constant 1 : i32
        %add3A_324 = arith.addi %mul3A_322, %add3A_323 : i32
        %get3A_325 = arith.constant 1 : i32
        %get3A_326 = arith.index_cast %get3A_325 : i32 to index
        %get3A_327 = arith.index_cast %add3A_324 : i32 to index
        %get3A_328 = arith.constant 0 : index
        %get3A_329 = tpu.vector_load %arg6[%get3A_326, %get3A_327, %get3A_328] {strides = array<i32>} : memref<4x128x32xf32, #tpu.memory_space<vmem>>, vector<1x1x16xf32>,
        %get3A_330 = vector.shape_cast %get3A_329 : vector<1x1x16xf32> to vector<16xf32>
        %mul3A_331 = arith.constant 4 : i32
        %mul3A_332 = arith.muli %scan3A_285, %mul3A_331 : i32
        %add3A_333 = arith.constant 1 : i32
        %add3A_334 = arith.addi %mul3A_332, %add3A_333 : i32
        %get3A_335 = arith.constant 1 : i32
        %get3A_336 = arith.index_cast %get3A_335 : i32 to index
        %get3A_337 = arith.index_cast %add3A_334 : i32 to index
        %get3A_338 = arith.constant 16 : index
        %get3A_339 = tpu.vector_load %arg6[%get3A_336, %get3A_337, %get3A_338] {strides = array<i32>} : memref<4x128x32xf32, #tpu.memory_space<vmem>>, vector<1x1x16xf32>,
        %get3A_340 = vector.shape_cast %get3A_339 : vector<1x1x16xf32> to vector<16xf32>
        %add3A_341 = arith.constant 1 : i32
        %add3A_342 = arith.addi %add3A_288, %add3A_341 : i32
        %swap3A_343 = arith.index_cast %add3A_342 : i32 to index
        %swap3A_344 = arith.constant 0 : index
        %swap3A_345 = tpu.vector_load %arg7[%swap3A_343, %swap3A_344] {strides = array<i32>} : memref<512x32xf32, #tpu.memory_space<vmem>>, vector<1x16xf32>,
        %swap3A_346 = vector.shape_cast %swap3A_345 : vector<1x16xf32> to vector<16xf32>
        %swap3A_347 = vector.shape_cast %get3A_330 : vector<16xf32> to vector<1x16xf32>
        tpu.vector_store %arg7[%swap3A_343, %swap3A_344], %swap3A_347 {add = true, strides = array<i32>} : memref<512x32xf32, #tpu.memory_space<vmem>>, vector<1x16xf32>,
        %add3A_348 = arith.constant 1 : i32
        %add3A_349 = arith.addi %add3A_288, %add3A_348 : i32
        %swap3A_350 = arith.index_cast %add3A_349 : i32 to index
        %swap3A_351 = arith.constant 16 : index
        %swap3A_352 = tpu.vector_load %arg7[%swap3A_350, %swap3A_351] {strides = array<i32>} : memref<512x32xf32, #tpu.memory_space<vmem>>, vector<1x16xf32>,
        %swap3A_353 = vector.shape_cast %swap3A_352 : vector<1x16xf32> to vector<16xf32>
        %swap3A_354 = vector.shape_cast %get3A_340 : vector<16xf32> to vector<1x16xf32>
        tpu.vector_store %arg7[%swap3A_350, %swap3A_351], %swap3A_354 {add = true, strides = array<i32>} : memref<512x32xf32, #tpu.memory_space<vmem>>, vector<1x16xf32>,
        %mul3A_355 = arith.constant 4 : i32
        %mul3A_356 = arith.muli %scan3A_285, %mul3A_355 : i32
        %add3A_357 = arith.constant 2 : i32
        %add3A_358 = arith.addi %mul3A_356, %add3A_357 : i32
        %get3A_359 = arith.constant 1 : i32
        %get3A_360 = arith.index_cast %get3A_359 : i32 to index
        %get3A_361 = arith.index_cast %add3A_358 : i32 to index
        %get3A_362 = arith.constant 0 : index
        %get3A_363 = tpu.vector_load %arg6[%get3A_360, %get3A_361, %get3A_362] {strides = array<i32>} : memref<4x128x32xf32, #tpu.memory_space<vmem>>, vector<1x1x16xf32>,
        %get3A_364 = vector.shape_cast %get3A_363 : vector<1x1x16xf32> to vector<16xf32>
        %mul3A_365 = arith.constant 4 : i32
        %mul3A_366 = arith.muli %scan3A_285, %mul3A_365 : i32
        %add3A_367 = arith.constant 2 : i32
        %add3A_368 = arith.addi %mul3A_366, %add3A_367 : i32
        %get3A_369 = arith.constant 1 : i32
        %get3A_370 = arith.index_cast %get3A_369 : i32 to index
        %get3A_371 = arith.index_cast %add3A_368 : i32 to index
        %get3A_372 = arith.constant 16 : index
        %get3A_373 = tpu.vector_load %arg6[%get3A_370, %get3A_371, %get3A_372] {strides = array<i32>} : memref<4x128x32xf32, #tpu.memory_space<vmem>>, vector<1x1x16xf32>,
        %get3A_374 = vector.shape_cast %get3A_373 : vector<1x1x16xf32> to vector<16xf32>
        %add3A_375 = arith.constant 2 : i32
        %add3A_376 = arith.addi %add3A_288, %add3A_375 : i32
        %swap3A_377 = arith.index_cast %add3A_376 : i32 to index
        %swap3A_378 = arith.constant 0 : index
        %swap3A_379 = tpu.vector_load %arg7[%swap3A_377, %swap3A_378] {strides = array<i32>} : memref<512x32xf32, #tpu.memory_space<vmem>>, vector<1x16xf32>,
        %swap3A_380 = vector.shape_cast %swap3A_379 : vector<1x16xf32> to vector<16xf32>
        %swap3A_381 = vector.shape_cast %get3A_364 : vector<16xf32> to vector<1x16xf32>
        tpu.vector_store %arg7[%swap3A_377, %swap3A_378], %swap3A_381 {add = true, strides = array<i32>} : memref<512x32xf32, #tpu.memory_space<vmem>>, vector<1x16xf32>,
        %add3A_382 = arith.constant 2 : i32
        %add3A_383 = arith.addi %add3A_288, %add3A_382 : i32
        %swap3A_384 = arith.index_cast %add3A_383 : i32 to index
        %swap3A_385 = arith.constant 16 : index
        %swap3A_386 = tpu.vector_load %arg7[%swap3A_384, %swap3A_385] {strides = array<i32>} : memref<512x32xf32, #tpu.memory_space<vmem>>, vector<1x16xf32>,
        %swap3A_387 = vector.shape_cast %swap3A_386 : vector<1x16xf32> to vector<16xf32>
        %swap3A_388 = vector.shape_cast %get3A_374 : vector<16xf32> to vector<1x16xf32>
        tpu.vector_store %arg7[%swap3A_384, %swap3A_385], %swap3A_388 {add = true, strides = array<i32>} : memref<512x32xf32, #tpu.memory_space<vmem>>, vector<1x16xf32>,
        %mul3A_389 = arith.constant 4 : i32
        %mul3A_390 = arith.muli %scan3A_285, %mul3A_389 : i32
        %add3A_391 = arith.constant 3 : i32
        %add3A_392 = arith.addi %mul3A_390, %add3A_391 : i32
        %get3A_393 = arith.constant 1 : i32
        %get3A_394 = arith.index_cast %get3A_393 : i32 to index
        %get3A_395 = arith.index_cast %add3A_392 : i32 to index
        %get3A_396 = arith.constant 0 : index
        %get3A_397 = tpu.vector_load %arg6[%get3A_394, %get3A_395, %get3A_396] {strides = array<i32>} : memref<4x128x32xf32, #tpu.memory_space<vmem>>, vector<1x1x16xf32>,
        %get3A_398 = vector.shape_cast %get3A_397 : vector<1x1x16xf32> to vector<16xf32>
        %mul3A_399 = arith.constant 4 : i32
        %mul3A_400 = arith.muli %scan3A_285, %mul3A_399 : i32
        %add3A_401 = arith.constant 3 : i32
        %add3A_402 = arith.addi %mul3A_400, %add3A_401 : i32
        %get3A_403 = arith.constant 1 : i32
        %get3A_404 = arith.index_cast %get3A_403 : i32 to index
        %get3A_405 = arith.index_cast %add3A_402 : i32 to index
        %get3A_406 = arith.constant 16 : index
        %get3A_407 = tpu.vector_load %arg6[%get3A_404, %get3A_405, %get3A_406] {strides = array<i32>} : memref<4x128x32xf32, #tpu.memory_space<vmem>>, vector<1x1x16xf32>,
        %get3A_408 = vector.shape_cast %get3A_407 : vector<1x1x16xf32> to vector<16xf32>
        %add3A_409 = arith.constant 3 : i32
        %add3A_410 = arith.addi %add3A_288, %add3A_409 : i32
        %swap3A_411 = arith.index_cast %add3A_410 : i32 to index
        %swap3A_412 = arith.constant 0 : index
        %swap3A_413 = tpu.vector_load %arg7[%swap3A_411, %swap3A_412] {strides = array<i32>} : memref<512x32xf32, #tpu.memory_space<vmem>>, vector<1x16xf32>,
        %swap3A_414 = vector.shape_cast %swap3A_413 : vector<1x16xf32> to vector<16xf32>
        %swap3A_415 = vector.shape_cast %get3A_398 : vector<16xf32> to vector<1x16xf32>
        tpu.vector_store %arg7[%swap3A_411, %swap3A_412], %swap3A_415 {add = true, strides = array<i32>} : memref<512x32xf32, #tpu.memory_space<vmem>>, vector<1x16xf32>,
        %add3A_416 = arith.constant 3 : i32
        %add3A_417 = arith.addi %add3A_288, %add3A_416 : i32
        %swap3A_418 = arith.index_cast %add3A_417 : i32 to index
        %swap3A_419 = arith.constant 16 : index
        %swap3A_420 = tpu.vector_load %arg7[%swap3A_418, %swap3A_419] {strides = array<i32>} : memref<512x32xf32, #tpu.memory_space<vmem>>, vector<1x16xf32>,
        %swap3A_421 = vector.shape_cast %swap3A_420 : vector<1x16xf32> to vector<16xf32>
        %swap3A_422 = vector.shape_cast %get3A_408 : vector<16xf32> to vector<1x16xf32>
        tpu.vector_store %arg7[%swap3A_418, %swap3A_419], %swap3A_422 {add = true, strides = array<i32>} : memref<512x32xf32, #tpu.memory_space<vmem>>, vector<1x16xf32>,
      }
      %scan3A_179 = arith.constant 32 : i32
      %add3A_180 = arith.constant 4 : i32
      %add3A_181 = arith.addi %add3A_141, %add3A_180 : i32
      %lt3A_182 = arith.constant 104 : i32
      %lt3A_183 = arith.cmpi slt, %add3A_181, %lt3A_182 : i32
      %convert_element_type3A_184 = arith.extui %lt3A_183 : i1 to i32
      %cond3A_185 = arith.constant 0 : i32
      %cond3A_186 = arith.cmpi ne, %convert_element_type3A_184, %cond3A_185 : i32
      scf.if %cond3A_186 {
        %dma_start3A_285 = arith.constant 1 : i32
        %dma_start3A_286 = arith.constant 1 : i32
        %dma_start3A_287 = arith.constant 0 : i32
        %dma_start3A_288 = arith.constant 0 : i32
        %dma_start3A_289 = tpu.memref_slice %arg6[%dma_start3A_285, %dma_start3A_287, %dma_start3A_288] : memref<4x128x32xf32, #tpu.memory_space<vmem>> -> memref<1x128x32xf32, #tpu.memory_space<vmem>>
        %dma_start3A_290 = tpu.memref_squeeze %dma_start3A_289 : memref<1x128x32xf32, #tpu.memory_space<vmem>> -> memref<128x32xf32, #tpu.memory_space<vmem>>
        %dma_start3A_291 = arith.constant 0 : i32
        %dma_start3A_292 = tpu.memref_slice %arg5[%add3A_181, %dma_start3A_291] : memref<104x128xi32, #tpu.memory_space<vmem>> -> memref<1x128xi32, #tpu.memory_space<vmem>>
        %dma_start3A_293 = tpu.memref_squeeze %dma_start3A_292 : memref<1x128xi32, #tpu.memory_space<vmem>> -> memref<128xi32, #tpu.memory_space<vmem>>
        %dma_start3A_294 = arith.constant 0 : i32
        %dma_start3A_295 = arith.constant 0 : i32
        %dma_start3A_296 = tpu.memref_slice %arg3[%dma_start3A_294, %dma_start3A_295] : memref<2600000x32xf32, #tpu.memory_space<hbm>> -> memref<2600000x32xf32, #tpu.memory_space<hbm>>
        %dma_start3A_297 = tpu.memref_slice %arg9[%dma_start3A_286] : memref<4x!tpu.dma_semaphore, #tpu.memory_space<semaphore_mem>> -> memref<1x!tpu.dma_semaphore, #tpu.memory_space<semaphore_mem>>
        %dma_start3A_298 = tpu.memref_squeeze %dma_start3A_297 : memref<1x!tpu.dma_semaphore, #tpu.memory_space<semaphore_mem>> -> memref<!tpu.dma_semaphore, #tpu.memory_space<semaphore_mem>>
        tpu.enqueue_indirect_dma source(%dma_start3A_296 : memref<2600000x32xf32, #tpu.memory_space<hbm>>) target(%dma_start3A_290 : memref<128x32xf32, #tpu.memory_space<vmem>>) offsets(%dma_start3A_293 : memref<128xi32, #tpu.memory_space<vmem>>) semaphore(%dma_start3A_298 : memref<!tpu.dma_semaphore, #tpu.memory_space<semaphore_mem>>)
      } else {
      }
      %mul3A_187 = arith.constant 4 : i32
      %mul3A_188 = arith.muli %scan3A_97, %mul3A_187 : i32
      %add3A_189 = arith.constant 2 : i32
      %add3A_190 = arith.addi %mul3A_188, %add3A_189 : i32
      %dma_wait3A_191 = arith.constant 2 : i32
      %dma_wait3A_192 = arith.constant 2 : i32
      %dma_wait3A_193 = arith.constant 0 : i32
      %dma_wait3A_194 = arith.constant 0 : i32
      %dma_wait3A_195 = tpu.memref_slice %arg6[%dma_wait3A_191, %dma_wait3A_193, %dma_wait3A_194] : memref<4x128x32xf32, #tpu.memory_space<vmem>> -> memref<1x128x32xf32, #tpu.memory_space<vmem>>
      %dma_wait3A_196 = tpu.memref_squeeze %dma_wait3A_195 : memref<1x128x32xf32, #tpu.memory_space<vmem>> -> memref<128x32xf32, #tpu.memory_space<vmem>>
      %dma_wait3A_197 = arith.constant 0 : i32
      %dma_wait3A_198 = tpu.memref_slice %arg5[%add3A_190, %dma_wait3A_197] : memref<104x128xi32, #tpu.memory_space<vmem>> -> memref<1x128xi32, #tpu.memory_space<vmem>>
      %dma_wait3A_199 = tpu.memref_squeeze %dma_wait3A_198 : memref<1x128xi32, #tpu.memory_space<vmem>> -> memref<128xi32, #tpu.memory_space<vmem>>
      %dma_wait3A_200 = arith.constant 0 : i32
      %dma_wait3A_201 = arith.constant 0 : i32
      %dma_wait3A_202 = tpu.memref_slice %arg3[%dma_wait3A_200, %dma_wait3A_201] : memref<2600000x32xf32, #tpu.memory_space<hbm>> -> memref<2600000x32xf32, #tpu.memory_space<hbm>>
      %dma_wait3A_203 = tpu.memref_slice %arg9[%dma_wait3A_192] : memref<4x!tpu.dma_semaphore, #tpu.memory_space<semaphore_mem>> -> memref<1x!tpu.dma_semaphore, #tpu.memory_space<semaphore_mem>>
      %dma_wait3A_204 = tpu.memref_squeeze %dma_wait3A_203 : memref<1x!tpu.dma_semaphore, #tpu.memory_space<semaphore_mem>> -> memref<!tpu.dma_semaphore, #tpu.memory_space<semaphore_mem>>
      tpu.wait_indirect_dma semaphore(%dma_wait3A_204 : memref<!tpu.dma_semaphore, #tpu.memory_space<semaphore_mem>>) src(%dma_wait3A_202 : memref<2600000x32xf32, #tpu.memory_space<hbm>>) dst(%dma_wait3A_196 : memref<128x32xf32, #tpu.memory_space<vmem>>)
      %jit3A_205 = arith.constant 4 : i32
      %eq3A_206 = arith.constant 0 : i32
      %eq3A_207 = arith.cmpi eq, %jit3A_205, %eq3A_206 : i32
      %jit3A_208 = arith.constant 1 : i32
      %select_n3A_209 = arith.select %eq3A_207, %jit3A_208, %jit3A_205 : i32
      %rem3A_210 = arith.remsi %add3A_190, %select_n3A_209 : i32
      %ne3A_211 = arith.constant 0 : i32
      %ne3A_212 = arith.cmpi ne, %rem3A_210, %ne3A_211 : i32
      %lt3A_213 = arith.constant 0 : i32
      %lt3A_214 = arith.cmpi slt, %rem3A_210, %lt3A_213 : i32
      %lt3A_215 = arith.constant 0 : i32
      %lt3A_216 = arith.cmpi slt, %select_n3A_209, %lt3A_215 : i32
      %ne3A_217 = arith.xori %lt3A_214, %lt3A_216 : i1
      %and3A_218 = arith.andi %ne3A_217, %ne3A_212 : i1
      %add3A_219 = arith.addi %rem3A_210, %select_n3A_209 : i32
      %select_n3A_220 = arith.select %and3A_218, %add3A_219, %rem3A_210 : i32
      %mul3A_221 = arith.constant 128 : i32
      %mul3A_222 = arith.muli %select_n3A_220, %mul3A_221 : i32
      %scan3A_223 = arith.constant 0 : i32
      %scan3A_224 = arith.constant 0 : i32
      %scan3A_225 = arith.constant 32 : i32
      %scan3A_226 = arith.addi %scan3A_224, %scan3A_225 : i32
      %scan3A_227 = arith.constant 1 : i32
      scf.for %scan3A_285 = %scan3A_224 to %scan3A_226 step %scan3A_227  : i32 {
        %mul3A_286 = arith.constant 4 : i32
        %mul3A_287 = arith.muli %scan3A_285, %mul3A_286 : i32
        %add3A_288 = arith.addi %mul3A_222, %mul3A_287 : i32
        %mul3A_289 = arith.constant 4 : i32
        %mul3A_290 = arith.muli %scan3A_285, %mul3A_289 : i32
        %add3A_291 = arith.constant 0 : i32
        %add3A_292 = arith.addi %mul3A_290, %add3A_291 : i32
        %get3A = arith.constant 2 : i32
        %get3A_293 = arith.index_cast %get3A : i32 to index
        %get3A_294 = arith.index_cast %add3A_292 : i32 to index
        %get3A_295 = arith.constant 0 : index
        %get3A_296 = tpu.vector_load %arg6[%get3A_293, %get3A_294, %get3A_295] {strides = array<i32>} : memref<4x128x32xf32, #tpu.memory_space<vmem>>, vector<1x1x16xf32>,
        %get3A_297 = vector.shape_cast %get3A_296 : vector<1x1x16xf32> to vector<16xf32>
        %mul3A_298 = arith.constant 4 : i32
        %mul3A_299 = arith.muli %scan3A_285, %mul3A_298 : i32
        %add3A_300 = arith.constant 0 : i32
        %add3A_301 = arith.addi %mul3A_299, %add3A_300 : i32
        %get3A_302 = arith.constant 2 : i32
        %get3A_303 = arith.index_cast %get3A_302 : i32 to index
        %get3A_304 = arith.index_cast %add3A_301 : i32 to index
        %get3A_305 = arith.constant 16 : index
        %get3A_306 = tpu.vector_load %arg6[%get3A_303, %get3A_304, %get3A_305] {strides = array<i32>} : memref<4x128x32xf32, #tpu.memory_space<vmem>>, vector<1x1x16xf32>,
        %get3A_307 = vector.shape_cast %get3A_306 : vector<1x1x16xf32> to vector<16xf32>
        %add3A_308 = arith.constant 0 : i32
        %add3A_309 = arith.addi %add3A_288, %add3A_308 : i32
        %swap3A = arith.index_cast %add3A_309 : i32 to index
        %swap3A_310 = arith.constant 0 : index
        %swap3A_311 = tpu.vector_load %arg7[%swap3A, %swap3A_310] {strides = array<i32>} : memref<512x32xf32, #tpu.memory_space<vmem>>, vector<1x16xf32>,
        %swap3A_312 = vector.shape_cast %swap3A_311 : vector<1x16xf32> to vector<16xf32>
        %swap3A_313 = vector.shape_cast %get3A_297 : vector<16xf32> to vector<1x16xf32>
        tpu.vector_store %arg7[%swap3A, %swap3A_310], %swap3A_313 {add = true, strides = array<i32>} : memref<512x32xf32, #tpu.memory_space<vmem>>, vector<1x16xf32>,
        %add3A_314 = arith.constant 0 : i32
        %add3A_315 = arith.addi %add3A_288, %add3A_314 : i32
        %swap3A_316 = arith.index_cast %add3A_315 : i32 to index
        %swap3A_317 = arith.constant 16 : index
        %swap3A_318 = tpu.vector_load %arg7[%swap3A_316, %swap3A_317] {strides = array<i32>} : memref<512x32xf32, #tpu.memory_space<vmem>>, vector<1x16xf32>,
        %swap3A_319 = vector.shape_cast %swap3A_318 : vector<1x16xf32> to vector<16xf32>
        %swap3A_320 = vector.shape_cast %get3A_307 : vector<16xf32> to vector<1x16xf32>
        tpu.vector_store %arg7[%swap3A_316, %swap3A_317], %swap3A_320 {add = true, strides = array<i32>} : memref<512x32xf32, #tpu.memory_space<vmem>>, vector<1x16xf32>,
        %mul3A_321 = arith.constant 4 : i32
        %mul3A_322 = arith.muli %scan3A_285, %mul3A_321 : i32
        %add3A_323 = arith.constant 1 : i32
        %add3A_324 = arith.addi %mul3A_322, %add3A_323 : i32
        %get3A_325 = arith.constant 2 : i32
        %get3A_326 = arith.index_cast %get3A_325 : i32 to index
        %get3A_327 = arith.index_cast %add3A_324 : i32 to index
        %get3A_328 = arith.constant 0 : index
        %get3A_329 = tpu.vector_load %arg6[%get3A_326, %get3A_327, %get3A_328] {strides = array<i32>} : memref<4x128x32xf32, #tpu.memory_space<vmem>>, vector<1x1x16xf32>,
        %get3A_330 = vector.shape_cast %get3A_329 : vector<1x1x16xf32> to vector<16xf32>
        %mul3A_331 = arith.constant 4 : i32
        %mul3A_332 = arith.muli %scan3A_285, %mul3A_331 : i32
        %add3A_333 = arith.constant 1 : i32
        %add3A_334 = arith.addi %mul3A_332, %add3A_333 : i32
        %get3A_335 = arith.constant 2 : i32
        %get3A_336 = arith.index_cast %get3A_335 : i32 to index
        %get3A_337 = arith.index_cast %add3A_334 : i32 to index
        %get3A_338 = arith.constant 16 : index
        %get3A_339 = tpu.vector_load %arg6[%get3A_336, %get3A_337, %get3A_338] {strides = array<i32>} : memref<4x128x32xf32, #tpu.memory_space<vmem>>, vector<1x1x16xf32>,
        %get3A_340 = vector.shape_cast %get3A_339 : vector<1x1x16xf32> to vector<16xf32>
        %add3A_341 = arith.constant 1 : i32
        %add3A_342 = arith.addi %add3A_288, %add3A_341 : i32
        %swap3A_343 = arith.index_cast %add3A_342 : i32 to index
        %swap3A_344 = arith.constant 0 : index
        %swap3A_345 = tpu.vector_load %arg7[%swap3A_343, %swap3A_344] {strides = array<i32>} : memref<512x32xf32, #tpu.memory_space<vmem>>, vector<1x16xf32>,
        %swap3A_346 = vector.shape_cast %swap3A_345 : vector<1x16xf32> to vector<16xf32>
        %swap3A_347 = vector.shape_cast %get3A_330 : vector<16xf32> to vector<1x16xf32>
        tpu.vector_store %arg7[%swap3A_343, %swap3A_344], %swap3A_347 {add = true, strides = array<i32>} : memref<512x32xf32, #tpu.memory_space<vmem>>, vector<1x16xf32>,
        %add3A_348 = arith.constant 1 : i32
        %add3A_349 = arith.addi %add3A_288, %add3A_348 : i32
        %swap3A_350 = arith.index_cast %add3A_349 : i32 to index
        %swap3A_351 = arith.constant 16 : index
        %swap3A_352 = tpu.vector_load %arg7[%swap3A_350, %swap3A_351] {strides = array<i32>} : memref<512x32xf32, #tpu.memory_space<vmem>>, vector<1x16xf32>,
        %swap3A_353 = vector.shape_cast %swap3A_352 : vector<1x16xf32> to vector<16xf32>
        %swap3A_354 = vector.shape_cast %get3A_340 : vector<16xf32> to vector<1x16xf32>
        tpu.vector_store %arg7[%swap3A_350, %swap3A_351], %swap3A_354 {add = true, strides = array<i32>} : memref<512x32xf32, #tpu.memory_space<vmem>>, vector<1x16xf32>,
        %mul3A_355 = arith.constant 4 : i32
        %mul3A_356 = arith.muli %scan3A_285, %mul3A_355 : i32
        %add3A_357 = arith.constant 2 : i32
        %add3A_358 = arith.addi %mul3A_356, %add3A_357 : i32
        %get3A_359 = arith.constant 2 : i32
        %get3A_360 = arith.index_cast %get3A_359 : i32 to index
        %get3A_361 = arith.index_cast %add3A_358 : i32 to index
        %get3A_362 = arith.constant 0 : index
        %get3A_363 = tpu.vector_load %arg6[%get3A_360, %get3A_361, %get3A_362] {strides = array<i32>} : memref<4x128x32xf32, #tpu.memory_space<vmem>>, vector<1x1x16xf32>,
        %get3A_364 = vector.shape_cast %get3A_363 : vector<1x1x16xf32> to vector<16xf32>
        %mul3A_365 = arith.constant 4 : i32
        %mul3A_366 = arith.muli %scan3A_285, %mul3A_365 : i32
        %add3A_367 = arith.constant 2 : i32
        %add3A_368 = arith.addi %mul3A_366, %add3A_367 : i32
        %get3A_369 = arith.constant 2 : i32
        %get3A_370 = arith.index_cast %get3A_369 : i32 to index
        %get3A_371 = arith.index_cast %add3A_368 : i32 to index
        %get3A_372 = arith.constant 16 : index
        %get3A_373 = tpu.vector_load %arg6[%get3A_370, %get3A_371, %get3A_372] {strides = array<i32>} : memref<4x128x32xf32, #tpu.memory_space<vmem>>, vector<1x1x16xf32>,
        %get3A_374 = vector.shape_cast %get3A_373 : vector<1x1x16xf32> to vector<16xf32>
        %add3A_375 = arith.constant 2 : i32
        %add3A_376 = arith.addi %add3A_288, %add3A_375 : i32
        %swap3A_377 = arith.index_cast %add3A_376 : i32 to index
        %swap3A_378 = arith.constant 0 : index
        %swap3A_379 = tpu.vector_load %arg7[%swap3A_377, %swap3A_378] {strides = array<i32>} : memref<512x32xf32, #tpu.memory_space<vmem>>, vector<1x16xf32>,
        %swap3A_380 = vector.shape_cast %swap3A_379 : vector<1x16xf32> to vector<16xf32>
        %swap3A_381 = vector.shape_cast %get3A_364 : vector<16xf32> to vector<1x16xf32>
        tpu.vector_store %arg7[%swap3A_377, %swap3A_378], %swap3A_381 {add = true, strides = array<i32>} : memref<512x32xf32, #tpu.memory_space<vmem>>, vector<1x16xf32>,
        %add3A_382 = arith.constant 2 : i32
        %add3A_383 = arith.addi %add3A_288, %add3A_382 : i32
        %swap3A_384 = arith.index_cast %add3A_383 : i32 to index
        %swap3A_385 = arith.constant 16 : index
        %swap3A_386 = tpu.vector_load %arg7[%swap3A_384, %swap3A_385] {strides = array<i32>} : memref<512x32xf32, #tpu.memory_space<vmem>>, vector<1x16xf32>,
        %swap3A_387 = vector.shape_cast %swap3A_386 : vector<1x16xf32> to vector<16xf32>
        %swap3A_388 = vector.shape_cast %get3A_374 : vector<16xf32> to vector<1x16xf32>
        tpu.vector_store %arg7[%swap3A_384, %swap3A_385], %swap3A_388 {add = true, strides = array<i32>} : memref<512x32xf32, #tpu.memory_space<vmem>>, vector<1x16xf32>,
        %mul3A_389 = arith.constant 4 : i32
        %mul3A_390 = arith.muli %scan3A_285, %mul3A_389 : i32
        %add3A_391 = arith.constant 3 : i32
        %add3A_392 = arith.addi %mul3A_390, %add3A_391 : i32
        %get3A_393 = arith.constant 2 : i32
        %get3A_394 = arith.index_cast %get3A_393 : i32 to index
        %get3A_395 = arith.index_cast %add3A_392 : i32 to index
        %get3A_396 = arith.constant 0 : index
        %get3A_397 = tpu.vector_load %arg6[%get3A_394, %get3A_395, %get3A_396] {strides = array<i32>} : memref<4x128x32xf32, #tpu.memory_space<vmem>>, vector<1x1x16xf32>,
        %get3A_398 = vector.shape_cast %get3A_397 : vector<1x1x16xf32> to vector<16xf32>
        %mul3A_399 = arith.constant 4 : i32
        %mul3A_400 = arith.muli %scan3A_285, %mul3A_399 : i32
        %add3A_401 = arith.constant 3 : i32
        %add3A_402 = arith.addi %mul3A_400, %add3A_401 : i32
        %get3A_403 = arith.constant 2 : i32
        %get3A_404 = arith.index_cast %get3A_403 : i32 to index
        %get3A_405 = arith.index_cast %add3A_402 : i32 to index
        %get3A_406 = arith.constant 16 : index
        %get3A_407 = tpu.vector_load %arg6[%get3A_404, %get3A_405, %get3A_406] {strides = array<i32>} : memref<4x128x32xf32, #tpu.memory_space<vmem>>, vector<1x1x16xf32>,
        %get3A_408 = vector.shape_cast %get3A_407 : vector<1x1x16xf32> to vector<16xf32>
        %add3A_409 = arith.constant 3 : i32
        %add3A_410 = arith.addi %add3A_288, %add3A_409 : i32
        %swap3A_411 = arith.index_cast %add3A_410 : i32 to index
        %swap3A_412 = arith.constant 0 : index
        %swap3A_413 = tpu.vector_load %arg7[%swap3A_411, %swap3A_412] {strides = array<i32>} : memref<512x32xf32, #tpu.memory_space<vmem>>, vector<1x16xf32>,
        %swap3A_414 = vector.shape_cast %swap3A_413 : vector<1x16xf32> to vector<16xf32>
        %swap3A_415 = vector.shape_cast %get3A_398 : vector<16xf32> to vector<1x16xf32>
        tpu.vector_store %arg7[%swap3A_411, %swap3A_412], %swap3A_415 {add = true, strides = array<i32>} : memref<512x32xf32, #tpu.memory_space<vmem>>, vector<1x16xf32>,
        %add3A_416 = arith.constant 3 : i32
        %add3A_417 = arith.addi %add3A_288, %add3A_416 : i32
        %swap3A_418 = arith.index_cast %add3A_417 : i32 to index
        %swap3A_419 = arith.constant 16 : index
        %swap3A_420 = tpu.vector_load %arg7[%swap3A_418, %swap3A_419] {strides = array<i32>} : memref<512x32xf32, #tpu.memory_space<vmem>>, vector<1x16xf32>,
        %swap3A_421 = vector.shape_cast %swap3A_420 : vector<1x16xf32> to vector<16xf32>
        %swap3A_422 = vector.shape_cast %get3A_408 : vector<16xf32> to vector<1x16xf32>
        tpu.vector_store %arg7[%swap3A_418, %swap3A_419], %swap3A_422 {add = true, strides = array<i32>} : memref<512x32xf32, #tpu.memory_space<vmem>>, vector<1x16xf32>,
      }
      %scan3A_228 = arith.constant 32 : i32
      %add3A_229 = arith.constant 4 : i32
      %add3A_230 = arith.addi %add3A_190, %add3A_229 : i32
      %lt3A_231 = arith.constant 104 : i32
      %lt3A_232 = arith.cmpi slt, %add3A_230, %lt3A_231 : i32
      %convert_element_type3A_233 = arith.extui %lt3A_232 : i1 to i32
      %cond3A_234 = arith.constant 0 : i32
      %cond3A_235 = arith.cmpi ne, %convert_element_type3A_233, %cond3A_234 : i32
      scf.if %cond3A_235 {
        %dma_start3A_285 = arith.constant 2 : i32
        %dma_start3A_286 = arith.constant 2 : i32
        %dma_start3A_287 = arith.constant 0 : i32
        %dma_start3A_288 = arith.constant 0 : i32
        %dma_start3A_289 = tpu.memref_slice %arg6[%dma_start3A_285, %dma_start3A_287, %dma_start3A_288] : memref<4x128x32xf32, #tpu.memory_space<vmem>> -> memref<1x128x32xf32, #tpu.memory_space<vmem>>
        %dma_start3A_290 = tpu.memref_squeeze %dma_start3A_289 : memref<1x128x32xf32, #tpu.memory_space<vmem>> -> memref<128x32xf32, #tpu.memory_space<vmem>>
        %dma_start3A_291 = arith.constant 0 : i32
        %dma_start3A_292 = tpu.memref_slice %arg5[%add3A_230, %dma_start3A_291] : memref<104x128xi32, #tpu.memory_space<vmem>> -> memref<1x128xi32, #tpu.memory_space<vmem>>
        %dma_start3A_293 = tpu.memref_squeeze %dma_start3A_292 : memref<1x128xi32, #tpu.memory_space<vmem>> -> memref<128xi32, #tpu.memory_space<vmem>>
        %dma_start3A_294 = arith.constant 0 : i32
        %dma_start3A_295 = arith.constant 0 : i32
        %dma_start3A_296 = tpu.memref_slice %arg3[%dma_start3A_294, %dma_start3A_295] : memref<2600000x32xf32, #tpu.memory_space<hbm>> -> memref<2600000x32xf32, #tpu.memory_space<hbm>>
        %dma_start3A_297 = tpu.memref_slice %arg9[%dma_start3A_286] : memref<4x!tpu.dma_semaphore, #tpu.memory_space<semaphore_mem>> -> memref<1x!tpu.dma_semaphore, #tpu.memory_space<semaphore_mem>>
        %dma_start3A_298 = tpu.memref_squeeze %dma_start3A_297 : memref<1x!tpu.dma_semaphore, #tpu.memory_space<semaphore_mem>> -> memref<!tpu.dma_semaphore, #tpu.memory_space<semaphore_mem>>
        tpu.enqueue_indirect_dma source(%dma_start3A_296 : memref<2600000x32xf32, #tpu.memory_space<hbm>>) target(%dma_start3A_290 : memref<128x32xf32, #tpu.memory_space<vmem>>) offsets(%dma_start3A_293 : memref<128xi32, #tpu.memory_space<vmem>>) semaphore(%dma_start3A_298 : memref<!tpu.dma_semaphore, #tpu.memory_space<semaphore_mem>>)
      } else {
      }
      %mul3A_236 = arith.constant 4 : i32
      %mul3A_237 = arith.muli %scan3A_97, %mul3A_236 : i32
      %add3A_238 = arith.constant 3 : i32
      %add3A_239 = arith.addi %mul3A_237, %add3A_238 : i32
      %dma_wait3A_240 = arith.constant 3 : i32
      %dma_wait3A_241 = arith.constant 3 : i32
      %dma_wait3A_242 = arith.constant 0 : i32
      %dma_wait3A_243 = arith.constant 0 : i32
      %dma_wait3A_244 = tpu.memref_slice %arg6[%dma_wait3A_240, %dma_wait3A_242, %dma_wait3A_243] : memref<4x128x32xf32, #tpu.memory_space<vmem>> -> memref<1x128x32xf32, #tpu.memory_space<vmem>>
      %dma_wait3A_245 = tpu.memref_squeeze %dma_wait3A_244 : memref<1x128x32xf32, #tpu.memory_space<vmem>> -> memref<128x32xf32, #tpu.memory_space<vmem>>
      %dma_wait3A_246 = arith.constant 0 : i32
      %dma_wait3A_247 = tpu.memref_slice %arg5[%add3A_239, %dma_wait3A_246] : memref<104x128xi32, #tpu.memory_space<vmem>> -> memref<1x128xi32, #tpu.memory_space<vmem>>
      %dma_wait3A_248 = tpu.memref_squeeze %dma_wait3A_247 : memref<1x128xi32, #tpu.memory_space<vmem>> -> memref<128xi32, #tpu.memory_space<vmem>>
      %dma_wait3A_249 = arith.constant 0 : i32
      %dma_wait3A_250 = arith.constant 0 : i32
      %dma_wait3A_251 = tpu.memref_slice %arg3[%dma_wait3A_249, %dma_wait3A_250] : memref<2600000x32xf32, #tpu.memory_space<hbm>> -> memref<2600000x32xf32, #tpu.memory_space<hbm>>
      %dma_wait3A_252 = tpu.memref_slice %arg9[%dma_wait3A_241] : memref<4x!tpu.dma_semaphore, #tpu.memory_space<semaphore_mem>> -> memref<1x!tpu.dma_semaphore, #tpu.memory_space<semaphore_mem>>
      %dma_wait3A_253 = tpu.memref_squeeze %dma_wait3A_252 : memref<1x!tpu.dma_semaphore, #tpu.memory_space<semaphore_mem>> -> memref<!tpu.dma_semaphore, #tpu.memory_space<semaphore_mem>>
      tpu.wait_indirect_dma semaphore(%dma_wait3A_253 : memref<!tpu.dma_semaphore, #tpu.memory_space<semaphore_mem>>) src(%dma_wait3A_251 : memref<2600000x32xf32, #tpu.memory_space<hbm>>) dst(%dma_wait3A_245 : memref<128x32xf32, #tpu.memory_space<vmem>>)
      %jit3A_254 = arith.constant 4 : i32
      %eq3A_255 = arith.constant 0 : i32
      %eq3A_256 = arith.cmpi eq, %jit3A_254, %eq3A_255 : i32
      %jit3A_257 = arith.constant 1 : i32
      %select_n3A_258 = arith.select %eq3A_256, %jit3A_257, %jit3A_254 : i32
      %rem3A_259 = arith.remsi %add3A_239, %select_n3A_258 : i32
      %ne3A_260 = arith.constant 0 : i32
      %ne3A_261 = arith.cmpi ne, %rem3A_259, %ne3A_260 : i32
      %lt3A_262 = arith.constant 0 : i32
      %lt3A_263 = arith.cmpi slt, %rem3A_259, %lt3A_262 : i32
      %lt3A_264 = arith.constant 0 : i32
      %lt3A_265 = arith.cmpi slt, %select_n3A_258, %lt3A_264 : i32
      %ne3A_266 = arith.xori %lt3A_263, %lt3A_265 : i1
      %and3A_267 = arith.andi %ne3A_266, %ne3A_261 : i1
      %add3A_268 = arith.addi %rem3A_259, %select_n3A_258 : i32
      %select_n3A_269 = arith.select %and3A_267, %add3A_268, %rem3A_259 : i32
      %mul3A_270 = arith.constant 128 : i32
      %mul3A_271 = arith.muli %select_n3A_269, %mul3A_270 : i32
      %scan3A_272 = arith.constant 0 : i32
      %scan3A_273 = arith.constant 0 : i32
      %scan3A_274 = arith.constant 32 : i32
      %scan3A_275 = arith.addi %scan3A_273, %scan3A_274 : i32
      %scan3A_276 = arith.constant 1 : i32
      scf.for %scan3A_285 = %scan3A_273 to %scan3A_275 step %scan3A_276  : i32 {
        %mul3A_286 = arith.constant 4 : i32
        %mul3A_287 = arith.muli %scan3A_285, %mul3A_286 : i32
        %add3A_288 = arith.addi %mul3A_271, %mul3A_287 : i32
        %mul3A_289 = arith.constant 4 : i32
        %mul3A_290 = arith.muli %scan3A_285, %mul3A_289 : i32
        %add3A_291 = arith.constant 0 : i32
        %add3A_292 = arith.addi %mul3A_290, %add3A_291 : i32
        %get3A = arith.constant 3 : i32
        %get3A_293 = arith.index_cast %get3A : i32 to index
        %get3A_294 = arith.index_cast %add3A_292 : i32 to index
        %get3A_295 = arith.constant 0 : index
        %get3A_296 = tpu.vector_load %arg6[%get3A_293, %get3A_294, %get3A_295] {strides = array<i32>} : memref<4x128x32xf32, #tpu.memory_space<vmem>>, vector<1x1x16xf32>,
        %get3A_297 = vector.shape_cast %get3A_296 : vector<1x1x16xf32> to vector<16xf32>
        %mul3A_298 = arith.constant 4 : i32
        %mul3A_299 = arith.muli %scan3A_285, %mul3A_298 : i32
        %add3A_300 = arith.constant 0 : i32
        %add3A_301 = arith.addi %mul3A_299, %add3A_300 : i32
        %get3A_302 = arith.constant 3 : i32
        %get3A_303 = arith.index_cast %get3A_302 : i32 to index
        %get3A_304 = arith.index_cast %add3A_301 : i32 to index
        %get3A_305 = arith.constant 16 : index
        %get3A_306 = tpu.vector_load %arg6[%get3A_303, %get3A_304, %get3A_305] {strides = array<i32>} : memref<4x128x32xf32, #tpu.memory_space<vmem>>, vector<1x1x16xf32>,
        %get3A_307 = vector.shape_cast %get3A_306 : vector<1x1x16xf32> to vector<16xf32>
        %add3A_308 = arith.constant 0 : i32
        %add3A_309 = arith.addi %add3A_288, %add3A_308 : i32
        %swap3A = arith.index_cast %add3A_309 : i32 to index
        %swap3A_310 = arith.constant 0 : index
        %swap3A_311 = tpu.vector_load %arg7[%swap3A, %swap3A_310] {strides = array<i32>} : memref<512x32xf32, #tpu.memory_space<vmem>>, vector<1x16xf32>,
        %swap3A_312 = vector.shape_cast %swap3A_311 : vector<1x16xf32> to vector<16xf32>
        %swap3A_313 = vector.shape_cast %get3A_297 : vector<16xf32> to vector<1x16xf32>
        tpu.vector_store %arg7[%swap3A, %swap3A_310], %swap3A_313 {add = true, strides = array<i32>} : memref<512x32xf32, #tpu.memory_space<vmem>>, vector<1x16xf32>,
        %add3A_314 = arith.constant 0 : i32
        %add3A_315 = arith.addi %add3A_288, %add3A_314 : i32
        %swap3A_316 = arith.index_cast %add3A_315 : i32 to index
        %swap3A_317 = arith.constant 16 : index
        %swap3A_318 = tpu.vector_load %arg7[%swap3A_316, %swap3A_317] {strides = array<i32>} : memref<512x32xf32, #tpu.memory_space<vmem>>, vector<1x16xf32>,
        %swap3A_319 = vector.shape_cast %swap3A_318 : vector<1x16xf32> to vector<16xf32>
        %swap3A_320 = vector.shape_cast %get3A_307 : vector<16xf32> to vector<1x16xf32>
        tpu.vector_store %arg7[%swap3A_316, %swap3A_317], %swap3A_320 {add = true, strides = array<i32>} : memref<512x32xf32, #tpu.memory_space<vmem>>, vector<1x16xf32>,
        %mul3A_321 = arith.constant 4 : i32
        %mul3A_322 = arith.muli %scan3A_285, %mul3A_321 : i32
        %add3A_323 = arith.constant 1 : i32
        %add3A_324 = arith.addi %mul3A_322, %add3A_323 : i32
        %get3A_325 = arith.constant 3 : i32
        %get3A_326 = arith.index_cast %get3A_325 : i32 to index
        %get3A_327 = arith.index_cast %add3A_324 : i32 to index
        %get3A_328 = arith.constant 0 : index
        %get3A_329 = tpu.vector_load %arg6[%get3A_326, %get3A_327, %get3A_328] {strides = array<i32>} : memref<4x128x32xf32, #tpu.memory_space<vmem>>, vector<1x1x16xf32>,
        %get3A_330 = vector.shape_cast %get3A_329 : vector<1x1x16xf32> to vector<16xf32>
        %mul3A_331 = arith.constant 4 : i32
        %mul3A_332 = arith.muli %scan3A_285, %mul3A_331 : i32
        %add3A_333 = arith.constant 1 : i32
        %add3A_334 = arith.addi %mul3A_332, %add3A_333 : i32
        %get3A_335 = arith.constant 3 : i32
        %get3A_336 = arith.index_cast %get3A_335 : i32 to index
        %get3A_337 = arith.index_cast %add3A_334 : i32 to index
        %get3A_338 = arith.constant 16 : index
        %get3A_339 = tpu.vector_load %arg6[%get3A_336, %get3A_337, %get3A_338] {strides = array<i32>} : memref<4x128x32xf32, #tpu.memory_space<vmem>>, vector<1x1x16xf32>,
        %get3A_340 = vector.shape_cast %get3A_339 : vector<1x1x16xf32> to vector<16xf32>
        %add3A_341 = arith.constant 1 : i32
        %add3A_342 = arith.addi %add3A_288, %add3A_341 : i32
        %swap3A_343 = arith.index_cast %add3A_342 : i32 to index
        %swap3A_344 = arith.constant 0 : index
        %swap3A_345 = tpu.vector_load %arg7[%swap3A_343, %swap3A_344] {strides = array<i32>} : memref<512x32xf32, #tpu.memory_space<vmem>>, vector<1x16xf32>,
        %swap3A_346 = vector.shape_cast %swap3A_345 : vector<1x16xf32> to vector<16xf32>
        %swap3A_347 = vector.shape_cast %get3A_330 : vector<16xf32> to vector<1x16xf32>
        tpu.vector_store %arg7[%swap3A_343, %swap3A_344], %swap3A_347 {add = true, strides = array<i32>} : memref<512x32xf32, #tpu.memory_space<vmem>>, vector<1x16xf32>,
        %add3A_348 = arith.constant 1 : i32
        %add3A_349 = arith.addi %add3A_288, %add3A_348 : i32
        %swap3A_350 = arith.index_cast %add3A_349 : i32 to index
        %swap3A_351 = arith.constant 16 : index
        %swap3A_352 = tpu.vector_load %arg7[%swap3A_350, %swap3A_351] {strides = array<i32>} : memref<512x32xf32, #tpu.memory_space<vmem>>, vector<1x16xf32>,
        %swap3A_353 = vector.shape_cast %swap3A_352 : vector<1x16xf32> to vector<16xf32>
        %swap3A_354 = vector.shape_cast %get3A_340 : vector<16xf32> to vector<1x16xf32>
        tpu.vector_store %arg7[%swap3A_350, %swap3A_351], %swap3A_354 {add = true, strides = array<i32>} : memref<512x32xf32, #tpu.memory_space<vmem>>, vector<1x16xf32>,
        %mul3A_355 = arith.constant 4 : i32
        %mul3A_356 = arith.muli %scan3A_285, %mul3A_355 : i32
        %add3A_357 = arith.constant 2 : i32
        %add3A_358 = arith.addi %mul3A_356, %add3A_357 : i32
        %get3A_359 = arith.constant 3 : i32
        %get3A_360 = arith.index_cast %get3A_359 : i32 to index
        %get3A_361 = arith.index_cast %add3A_358 : i32 to index
        %get3A_362 = arith.constant 0 : index
        %get3A_363 = tpu.vector_load %arg6[%get3A_360, %get3A_361, %get3A_362] {strides = array<i32>} : memref<4x128x32xf32, #tpu.memory_space<vmem>>, vector<1x1x16xf32>,
        %get3A_364 = vector.shape_cast %get3A_363 : vector<1x1x16xf32> to vector<16xf32>
        %mul3A_365 = arith.constant 4 : i32
        %mul3A_366 = arith.muli %scan3A_285, %mul3A_365 : i32
        %add3A_367 = arith.constant 2 : i32
        %add3A_368 = arith.addi %mul3A_366, %add3A_367 : i32
        %get3A_369 = arith.constant 3 : i32
        %get3A_370 = arith.index_cast %get3A_369 : i32 to index
        %get3A_371 = arith.index_cast %add3A_368 : i32 to index
        %get3A_372 = arith.constant 16 : index
        %get3A_373 = tpu.vector_load %arg6[%get3A_370, %get3A_371, %get3A_372] {strides = array<i32>} : memref<4x128x32xf32, #tpu.memory_space<vmem>>, vector<1x1x16xf32>,
        %get3A_374 = vector.shape_cast %get3A_373 : vector<1x1x16xf32> to vector<16xf32>
        %add3A_375 = arith.constant 2 : i32
        %add3A_376 = arith.addi %add3A_288, %add3A_375 : i32
        %swap3A_377 = arith.index_cast %add3A_376 : i32 to index
        %swap3A_378 = arith.constant 0 : index
        %swap3A_379 = tpu.vector_load %arg7[%swap3A_377, %swap3A_378] {strides = array<i32>} : memref<512x32xf32, #tpu.memory_space<vmem>>, vector<1x16xf32>,
        %swap3A_380 = vector.shape_cast %swap3A_379 : vector<1x16xf32> to vector<16xf32>
        %swap3A_381 = vector.shape_cast %get3A_364 : vector<16xf32> to vector<1x16xf32>
        tpu.vector_store %arg7[%swap3A_377, %swap3A_378], %swap3A_381 {add = true, strides = array<i32>} : memref<512x32xf32, #tpu.memory_space<vmem>>, vector<1x16xf32>,
        %add3A_382 = arith.constant 2 : i32
        %add3A_383 = arith.addi %add3A_288, %add3A_382 : i32
        %swap3A_384 = arith.index_cast %add3A_383 : i32 to index
        %swap3A_385 = arith.constant 16 : index
        %swap3A_386 = tpu.vector_load %arg7[%swap3A_384, %swap3A_385] {strides = array<i32>} : memref<512x32xf32, #tpu.memory_space<vmem>>, vector<1x16xf32>,
        %swap3A_387 = vector.shape_cast %swap3A_386 : vector<1x16xf32> to vector<16xf32>
        %swap3A_388 = vector.shape_cast %get3A_374 : vector<16xf32> to vector<1x16xf32>
        tpu.vector_store %arg7[%swap3A_384, %swap3A_385], %swap3A_388 {add = true, strides = array<i32>} : memref<512x32xf32, #tpu.memory_space<vmem>>, vector<1x16xf32>,
        %mul3A_389 = arith.constant 4 : i32
        %mul3A_390 = arith.muli %scan3A_285, %mul3A_389 : i32
        %add3A_391 = arith.constant 3 : i32
        %add3A_392 = arith.addi %mul3A_390, %add3A_391 : i32
        %get3A_393 = arith.constant 3 : i32
        %get3A_394 = arith.index_cast %get3A_393 : i32 to index
        %get3A_395 = arith.index_cast %add3A_392 : i32 to index
        %get3A_396 = arith.constant 0 : index
        %get3A_397 = tpu.vector_load %arg6[%get3A_394, %get3A_395, %get3A_396] {strides = array<i32>} : memref<4x128x32xf32, #tpu.memory_space<vmem>>, vector<1x1x16xf32>,
        %get3A_398 = vector.shape_cast %get3A_397 : vector<1x1x16xf32> to vector<16xf32>
        %mul3A_399 = arith.constant 4 : i32
        %mul3A_400 = arith.muli %scan3A_285, %mul3A_399 : i32
        %add3A_401 = arith.constant 3 : i32
        %add3A_402 = arith.addi %mul3A_400, %add3A_401 : i32
        %get3A_403 = arith.constant 3 : i32
        %get3A_404 = arith.index_cast %get3A_403 : i32 to index
        %get3A_405 = arith.index_cast %add3A_402 : i32 to index
        %get3A_406 = arith.constant 16 : index
        %get3A_407 = tpu.vector_load %arg6[%get3A_404, %get3A_405, %get3A_406] {strides = array<i32>} : memref<4x128x32xf32, #tpu.memory_space<vmem>>, vector<1x1x16xf32>,
        %get3A_408 = vector.shape_cast %get3A_407 : vector<1x1x16xf32> to vector<16xf32>
        %add3A_409 = arith.constant 3 : i32
        %add3A_410 = arith.addi %add3A_288, %add3A_409 : i32
        %swap3A_411 = arith.index_cast %add3A_410 : i32 to index
        %swap3A_412 = arith.constant 0 : index
        %swap3A_413 = tpu.vector_load %arg7[%swap3A_411, %swap3A_412] {strides = array<i32>} : memref<512x32xf32, #tpu.memory_space<vmem>>, vector<1x16xf32>,
        %swap3A_414 = vector.shape_cast %swap3A_413 : vector<1x16xf32> to vector<16xf32>
        %swap3A_415 = vector.shape_cast %get3A_398 : vector<16xf32> to vector<1x16xf32>
        tpu.vector_store %arg7[%swap3A_411, %swap3A_412], %swap3A_415 {add = true, strides = array<i32>} : memref<512x32xf32, #tpu.memory_space<vmem>>, vector<1x16xf32>,
        %add3A_416 = arith.constant 3 : i32
        %add3A_417 = arith.addi %add3A_288, %add3A_416 : i32
        %swap3A_418 = arith.index_cast %add3A_417 : i32 to index
        %swap3A_419 = arith.constant 16 : index
        %swap3A_420 = tpu.vector_load %arg7[%swap3A_418, %swap3A_419] {strides = array<i32>} : memref<512x32xf32, #tpu.memory_space<vmem>>, vector<1x16xf32>,
        %swap3A_421 = vector.shape_cast %swap3A_420 : vector<1x16xf32> to vector<16xf32>
        %swap3A_422 = vector.shape_cast %get3A_408 : vector<16xf32> to vector<1x16xf32>
        tpu.vector_store %arg7[%swap3A_418, %swap3A_419], %swap3A_422 {add = true, strides = array<i32>} : memref<512x32xf32, #tpu.memory_space<vmem>>, vector<1x16xf32>,
      }
      %scan3A_277 = arith.constant 32 : i32
      %add3A_278 = arith.constant 4 : i32
      %add3A_279 = arith.addi %add3A_239, %add3A_278 : i32
      %lt3A_280 = arith.constant 104 : i32
      %lt3A_281 = arith.cmpi slt, %add3A_279, %lt3A_280 : i32
      %convert_element_type3A_282 = arith.extui %lt3A_281 : i1 to i32
      %cond3A_283 = arith.constant 0 : i32
      %cond3A_284 = arith.cmpi ne, %convert_element_type3A_282, %cond3A_283 : i32
      scf.if %cond3A_284 {
        %dma_start3A_285 = arith.constant 3 : i32
        %dma_start3A_286 = arith.constant 3 : i32
        %dma_start3A_287 = arith.constant 0 : i32
        %dma_start3A_288 = arith.constant 0 : i32
        %dma_start3A_289 = tpu.memref_slice %arg6[%dma_start3A_285, %dma_start3A_287, %dma_start3A_288] : memref<4x128x32xf32, #tpu.memory_space<vmem>> -> memref<1x128x32xf32, #tpu.memory_space<vmem>>
        %dma_start3A_290 = tpu.memref_squeeze %dma_start3A_289 : memref<1x128x32xf32, #tpu.memory_space<vmem>> -> memref<128x32xf32, #tpu.memory_space<vmem>>
        %dma_start3A_291 = arith.constant 0 : i32
        %dma_start3A_292 = tpu.memref_slice %arg5[%add3A_279, %dma_start3A_291] : memref<104x128xi32, #tpu.memory_space<vmem>> -> memref<1x128xi32, #tpu.memory_space<vmem>>
        %dma_start3A_293 = tpu.memref_squeeze %dma_start3A_292 : memref<1x128xi32, #tpu.memory_space<vmem>> -> memref<128xi32, #tpu.memory_space<vmem>>
        %dma_start3A_294 = arith.constant 0 : i32
        %dma_start3A_295 = arith.constant 0 : i32
        %dma_start3A_296 = tpu.memref_slice %arg3[%dma_start3A_294, %dma_start3A_295] : memref<2600000x32xf32, #tpu.memory_space<hbm>> -> memref<2600000x32xf32, #tpu.memory_space<hbm>>
        %dma_start3A_297 = tpu.memref_slice %arg9[%dma_start3A_286] : memref<4x!tpu.dma_semaphore, #tpu.memory_space<semaphore_mem>> -> memref<1x!tpu.dma_semaphore, #tpu.memory_space<semaphore_mem>>
        %dma_start3A_298 = tpu.memref_squeeze %dma_start3A_297 : memref<1x!tpu.dma_semaphore, #tpu.memory_space<semaphore_mem>> -> memref<!tpu.dma_semaphore, #tpu.memory_space<semaphore_mem>>
        tpu.enqueue_indirect_dma source(%dma_start3A_296 : memref<2600000x32xf32, #tpu.memory_space<hbm>>) target(%dma_start3A_290 : memref<128x32xf32, #tpu.memory_space<vmem>>) offsets(%dma_start3A_293 : memref<128xi32, #tpu.memory_space<vmem>>) semaphore(%dma_start3A_298 : memref<!tpu.dma_semaphore, #tpu.memory_space<semaphore_mem>>)
      } else {
      }
    }
    %scan3A_86 = arith.constant 26 : i32
    %mul3A_87 = arith.constant 512 : i32
    %mul3A_88 = arith.muli %add3A, %mul3A_87 : i32
    %dma_start3A_89 = arith.constant 0 : i32
    %dma_start3A_90 = tpu.memref_slice %arg4[%mul3A_88, %dma_start3A_89] : memref<16384x32xf32, #tpu.memory_space<hbm>> -> memref<512x32xf32, #tpu.memory_space<hbm>>
    %dma_start3A_91 = arith.constant 0 : i32
    %dma_start3A_92 = tpu.memref_slice %arg4[%mul3A_88, %dma_start3A_91] : memref<16384x32xf32, #tpu.memory_space<hbm>> -> memref<512x32xf32, #tpu.memory_space<hbm>>
    tpu.enqueue_dma source(%arg7 : memref<512x32xf32, #tpu.memory_space<vmem>>) target(%dma_start3A_92 : memref<512x32xf32, #tpu.memory_space<hbm>>) target_semaphore(%arg8 : memref<!tpu.dma_semaphore, #tpu.memory_space<semaphore_mem>>)
    %dma_wait3A_93 = arith.constant 0 : i32
    %dma_wait3A_94 = tpu.memref_slice %arg4[%mul3A_88, %dma_wait3A_93] : memref<16384x32xf32, #tpu.memory_space<hbm>> -> memref<512x32xf32, #tpu.memory_space<hbm>>
    %dma_wait3A_95 = arith.constant 0 : i32
    %dma_wait3A_96 = tpu.memref_slice %arg4[%mul3A_88, %dma_wait3A_95] : memref<16384x32xf32, #tpu.memory_space<hbm>> -> memref<512x32xf32, #tpu.memory_space<hbm>>
    tpu.wait_dma2 semaphore(%arg8 : memref<!tpu.dma_semaphore, #tpu.memory_space<semaphore_mem>>) src(%arg7 : memref<512x32xf32, #tpu.memory_space<vmem>>) dst(%dma_wait3A_96 : memref<512x32xf32, #tpu.memory_space<hbm>>)
    return
  }
}

</mosaic_0001>

<sc_bundles>
// kernel: kernel.3.cloned.1.call-start
scs
__scs_entry_jumppad:
0x0: {  	(pc) =	sbr.rel $0x88, $3  }
0x1: {  	(tag) =	ssettag $0x0;
	lr =	simm.s32 $0x1  }
0x2: {  	[smem:$0x3F9F] =	sst lr;
	_ =	strace $0xD0000000  }
0x3: {  	_ = 	snop  }
0x4: {  	_ = 	snop  }
0x5: {  	_ = 	snop  }
0x6: {  	_ = 	snop  }
0x7: {  	_ = 	snop  }
__scs_overlays_trampoline_lowered:
0x8: {  	[smem:$0x3FAE] =	sst s0  }
0x9: {  	[smem:$0x3FAF] =	sst s1  }
0xa: {  	[smem:$0x3FB0] =	sst s2  }
0xb: {  	[smem:$0x3FB1] =	sst s3  }
0xc: {  	[smem:$0x3FB2] =	sst s4  }
0xd: {  	[smem:$0x3FB3] =	sst s5  }
0xe: {  	[smem:$0x3FB4] =	sst s6  }
0xf: {  	[smem:$0x3FB5] =	sst s7  }
0x10: {  	[smem:$0x3FB6] =	sst s8  }
0x11: {  	[smem:$0x3FB7] =	sst s9;
	s0 =	simm.s32 @!p0 $0x0  }
0x12: {  	s1 =	sld [smem:$0x3F9D];
	s0 =	simm.s32 @p0 $0x1  }
0x13: {  	[smem:$0x3FB8] =	sst s0;
	s0 =	simm.s32 @!p1 $0x0  }
0x14: {  	s2 =	sld [smem:$0x3F9C];
	s0 =	simm.s32 @p1 $0x1  }
0x15: {  	[smem:$0x3FB9] =	sst s0;
	s0 =	simm.s32 @!p2 $0x0  }
0x16: {  	s3 =	sld [smem:$0x3FDB];
	s0 =	simm.s32 @p2 $0x1  }
0x17: {  	s4 =	simm.s32 $0x1BF5;
	[smem:$0x3FBB] =	sst s0  }
0x18: {  	s0 =	sld [smem:$0x3F9E];
	_ =	swait.ge [sflag:s4], $0x0  }
0x19: {  	s7 =	sld [smem:$0x3F9F]  }
0x1a: {  	s8 =	sadd.s32 $0xFFFFE003, lr  }
0x1b: {  	s9 =	sadd.s32 $0xFFFFFEF7, lr;
	s5 =	simm.s32 $0xFFFFFFFF;
	p2 =	slt.u32 s8, $0xFFFFF086  }
0x1c: {  	p1 =	slt.u32 s9, $0xF7A;
	s5 =	simm.s32 @!p2 $0x0  }
0x1d: {  	s5 =	simm.s32 @p1 $0x1;
	p0 =	seq.s32 s7, s2  }
0x1e: {  	s7 =	smul.u32 @!p0 $0xF7A, s2;
	p2 =	seq.s32 @!p0 s5, $0x0  }
0x1f: {  	s9 =	smul.u32 $0xF7A, s1;
	s8 =	simm.s32 @!p0 $0x1BF5;
	p2 =	por !p2, p0  }
0x20: {  	[sflag:s8] =	ssyncset.s32 @!p0 $0xFFFFF086;
	s6 =	sadd.s32 @!p0 s3, s7;
	s7 =	simm.s32 @!p0 $0x108  }
0x21: {  	s3 =	sadd.s32 s3, s9;
	s6 =	sadd.s32 @!p0 $0x88, s6;
	s7 =	simm.s32 @p2 $0x1082  }
0x22: {  	[simem:s7], [sflag:s8] =	dma.local @!p0 [hbm:s6], $0xF7A  }
0x23: {  	s9 =	sor.u32 $0xD0000000, s2;
	s6 =	simm.s32 $0x108;
	_ =	swait.ge @!p0 [sflag:s8], $0x0  }
0x24: {  	s3 =	sadd.s32 $0x88, s3;
	s6 =	simm.s32 @!p1 $0x1082;
	[sflag:s4] =	ssyncset.s32 $0xFFFFF086  }
0x25: {  	[simem:s6], [sflag:s4] =	dma.local [hbm:s3], $0xF7A  }
0x26: {  	[smem:$0x3F9F] =	sst s1;
	(tag) =	ssettag s2;
	_ =	strace s9  }
0x27: {  	s1 =	sld [smem:$0x3FAF]  }
0x28: {  	s2 =	sld [smem:$0x3FB0]  }
0x29: {  	s4 =	sld [smem:$0x3FB2]  }
0x2a: {  	p0 =	seq.s32 s5, $0x0;
	s5 =	sld [smem:$0x3FB3]  }
0x2b: {  	s6 =	sld [smem:$0x3FB4]  }
0x2c: {  	s7 =	sld [smem:$0x3FB5]  }
0x2d: {  	s3 =	simm.s32 $0x108;
	s8 =	sld [smem:$0x3FB6]  }
0x2e: {  	s3 =	simm.s32 @!p0 $0x1082;
	s9 =	sld [smem:$0x3FB7]  }
0x2f: {  	lr =	sadd.s32 s0, s3;
	s0 =	sld [smem:$0x3FAE]  }
0x30: {  	s3 =	sld [smem:$0x3FB1]  }
0x31: {  	[smem:$0x3FBA] =	sst s10  }
0x32: {  	s10 =	sld [smem:$0x3FB8];
	_ =	sdelay $0x3  }
0x33: {  	p0 =	seq.s32 s10, $0x1;
	s10 =	sld [smem:$0x3FBA];
	_ =	sdelay $0x3  }
0x34: {  	[smem:$0x3FBA] =	sst s10  }
0x35: {  	s10 =	sld [smem:$0x3FB9];
	_ =	sdelay $0x3  }
0x36: {  	p1 =	seq.s32 s10, $0x1;
	s10 =	sld [smem:$0x3FBA];
	_ =	sdelay $0x3  }
0x37: {  	[smem:$0x3FBA] =	sst s10  }
0x38: {  	s10 =	sld [smem:$0x3FBB]  }
0x39: {  	_ = 	snop;
	(pc) =	sbr.ind lr, $3  }
0x3a: {  	_ = 	snop  }
0x3b: {  	_ = 	snop  }
0x3c: {  	p2 =	seq.s32 s10, $0x1;
	s10 =	sld [smem:$0x3FBA]  }
0x3d: {  	_ =	shalt  }
0x3e: {  	_ =	shalt  }
0x3f: {  	_ =	shalt  }
0x40: {  	_ =	shalt  }
0x41: {  	_ =	shalt  }
0x42: {  	_ =	shalt  }
0x43: {  	_ =	shalt  }
0x44: {  	_ =	shalt  }
0x45: {  	_ =	shalt  }
0x46: {  	_ =	shalt  }
0x47: {  	_ =	shalt  }
0x48: {  	_ =	shalt  }
0x49: {  	_ =	shalt  }
0x4a: {  	_ =	shalt  }
0x4b: {  	_ =	shalt  }
0x4c: {  	_ =	shalt  }
0x4d: {  	_ =	shalt  }
0x4e: {  	_ =	shalt  }
0x4f: {  	_ =	shalt  }
0x50: {  	_ =	shalt  }
0x51: {  	_ =	shalt  }
0x52: {  	_ =	shalt  }
0x53: {  	_ =	shalt  }
0x54: {  	_ =	shalt  }
0x55: {  	_ =	shalt  }
0x56: {  	_ =	shalt  }
0x57: {  	_ =	shalt  }
0x58: {  	_ =	shalt  }
0x59: {  	_ =	shalt  }
0x5a: {  	_ =	shalt  }
0x5b: {  	_ =	shalt  }
0x5c: {  	_ =	shalt  }
0x5d: {  	_ =	shalt  }
0x5e: {  	_ =	shalt  }
0x5f: {  	_ =	shalt  }
0x60: {  	_ =	shalt  }
0x61: {  	_ =	shalt  }
0x62: {  	_ =	shalt  }
0x63: {  	_ =	shalt  }
0x64: {  	_ =	shalt  }
0x65: {  	_ =	shalt  }
0x66: {  	_ =	shalt  }
0x67: {  	_ =	shalt  }
0x68: {  	_ =	shalt  }
0x69: {  	_ =	shalt  }
0x6a: {  	_ =	shalt  }
0x6b: {  	_ =	shalt  }
0x6c: {  	_ =	shalt  }
0x6d: {  	_ =	shalt  }
0x6e: {  	_ =	shalt  }
0x6f: {  	_ =	shalt  }
0x70: {  	_ =	shalt  }
0x71: {  	_ =	shalt  }
0x72: {  	_ =	shalt  }
0x73: {  	_ =	shalt  }
0x74: {  	_ =	shalt  }
0x75: {  	_ =	shalt  }
0x76: {  	_ =	shalt  }
0x77: {  	_ =	shalt  }
0x78: {  	_ =	shalt  }
0x79: {  	_ =	shalt  }
0x7a: {  	_ =	shalt  }
0x7b: {  	_ =	shalt  }
0x7c: {  	_ =	shalt  }
0x7d: {  	_ =	shalt  }
0x7e: {  	_ =	shalt  }
0x7f: {  	_ =	shalt  }
0x80: {  	_ =	shalt  }
0x81: {  	_ =	shalt  }
0x82: {  	_ =	shalt  }
0x83: {  	_ =	shalt  }
0x84: {  	_ =	shalt  }
0x85: {  	_ =	shalt  }
0x86: {  	_ =	shalt  }
0x87: {  	_ =	shalt  }
.Lfunc_end0:
.L_simem_size_0:
called_computation_lowered:
.L_overlay_start_0:
0x88: {  	s2 =	sld [smem:$0x3FD9]  }
0x89: {  	s3 =	sld [smem:$0x3FFE];
	_ =	sdelay $0x1  }
0x8a: {  	s1 =	srdreg.scid  }
0x8b: {  	s0 =	sand.u32 $0x1, s1  }
0x8c: {  	s17 =	sshll.u32 s0, $0xA;
	s2 =	sadd.s32 s3, s2  }
0x8d: {  	s2 =	sadd.s32 s2, s17  }
0x8e: {  	[smem:$0x3FC6] =	sst s2  }
0x8f: {  	_ = 	snop  }
0x90: {  	s2 =	sld [smem:$0x3FD0];
	(tm) =	ssettm $0x1  }
0x91: {  	s18 =	sld [smem:$0x3FFB];
	_ =	sdelay $0x3  }
0x92: {  	_ =	strace s18  }
0x93: {  	s3 =	sld [smem:$0x3FFC];
	_ =	sdelay $0x3  }
0x94: {  	_ =	strace s3  }
0x95: {  	s3 =	sld [smem:$0x3FFD];
	_ =	sdelay $0x3  }
0x96: {  	_ =	strace s3  }
0x97: {  	_ =	strace $0x8FFFFFFF  }
0x98: {  	s19 =	sld [smem:$0x3FDB];
	_ =	sdelay $0x1  }
0x99: {  	s4 =	simm.s32 $_scs_section_size  }
0x9a: {  	s5 =	simm.s32 $_size__tile_overlayer_lowered;
	s6 =	simm.s32 $_tile_overlayer_lowered  }
0x9b: {  	s22 =	simm.s32 $0x1BFF;
	s21 =	sshll.u32 s6, $0x1;
	s3 =	sadd.s32 s4, s19  }
0x9c: {  	s7 =	simm.s32 $0x0;
	s20 =	sshll.u32 s5, $0x1;
	s5 =	sadd.s32 s21, s3  }
0x9d: {  	[timem:s7], [sflag:s22] =	dma.local [hbm:s5], s20  }
0x9e: {  	_ =	swait.ge [sflag:s22], s20  }
0x9f: {  	s4 =	ssub.s32 $0x0, s20;
	[sflag:s22] =	ssyncset.done $0x0  }
0xa0: {  	[sflag:s22] =	ssyncadd.s32 s4;
	_ =	sdelay $0x1  }
0xa1: {  	s23 =	simm.s32 $0x1B8B  }
0xa2: {  	_ =	swait.ge [sflag:s23], $0x1  }
0xa3: {  	[sflag:s23] =	ssyncset.done $0x0  }
0xa4: {  	s25 =	simm.s32 $0x1B8E;
	s24 =	sld [smem:$0x3FFE];
	[sflag:s23] =	ssyncadd.s32 $0xFFFFFFFF  }
0xa5: {  	s26 =	simm.s32 $execute0_lowered;
	[smem:$0x3FD2] =	sst s25  }
0xa6: {  	s5 =	sshll.u32 s26, $0x1;
	_ =	strace $0x80000046;
	[dreg:$0x1] =	wrdreg $0xFFFFFFFF  }
0xa7: {  	s28 =	simm.s32 $_size_execute0_lowered;
	s3 =	sadd.s32 s3, s5;
	[dreg:$0x0] =	wrdreg $0x0  }
0xa8: {  	s5 =	sshll.u32 s28, $0x1;
	[dreg:$0x2] =	wrdreg s3  }
0xa9: {  	[dreg:$0x3] =	wrdreg s5  }
0xaa: {  	[dreg:$0x4] =	wrdreg $0xC0  }
0xab: {  	_ =	task [dreg:s7], $0x5FFFF  }
0xac: {  	[dreg:$0x1] =	wrdreg $0xFFFFFFFF  }
0xad: {  	[dreg:$0x0] =	wrdreg $0x60  }
0xae: {  	[dreg:$0x2] =	wrdreg s24  }
0xaf: {  	[dreg:$0x3] =	wrdreg s2  }
0xb0: {  	[dreg:$0x4] =	wrdreg $0x9  }
0xb1: {  	_ =	task.clear_ibuf [dreg:s7], $0x5FFFF;
	_ =	strace $0x90000046  }
0xb2: {  	s29 =	simm.s32 $0x9;
	_ =	strace $0x80000048  }
0xb3: {  	_ =	swait.ge [sflag:s29], $0x1  }
0xb4: {  	[sflag:s29] =	ssyncadd.s32 $0xFFFFFFFF  }
0xb5: {  	_ =	strace $0x90000048  }
0xb6: {  	_ =	sfence  }
0xb7: {  	s30 =	sld [smem:$0x0];
	_ =	sdelay $0x2  }
0xb8: {  	s31 =	sshll.u32 s1, $0xD;
	s1 =	sshrl.u32 s1, $0x2  }
0xb9: {  	s3 =	sand.u32 $0x4000, s31;
	s1 =	sadd.s32 s1, s30  }
0xba: {  	s0 =	sor.u32 s3, s0;
	s1 =	sshll.u32 s1, $0x11  }
0xbb: {  	s0 =	sor.u32 s1, s0  }
0xbc: {  	s0 =	sadd.s32 $0x8F2B, s0  }
0xbd: {  	[sflag:s0] =	ssyncadd.remote.s32 $0x1  }
0xbe: {  	_ =	sfence.sel $0xFFFF  }
0xbf: {  	[dreg:$0x0] =	wrdreg $0xFFFFFFFF;
	(pc) =	sbr.abs _section_cstart, $3  }
0xc0: {  	[dreg:$0x1] =	wrdreg $0xFFFFFFFF  }
0xc1: {  	_ =	task.clear_ibuf [dreg:s7], $0x2FFFF;
	_ =	strace $0x9FFFFFFF  }
0xc2: {  	(tm) =	ssettm $0x7FFFFFFF  }
0xc3: {  	_ =	shalt  }
tec
execute0_lowered:
.L_overlay_start_1:
0x0: {  	(tag) =	ssettag $0x1  }
0x1: {  	s1 =	srdreg.scid  }
0x2: {  	s0 =	stileid.u32;
	s3 =	rddreg [dreg:$0x0]  }
0x3: {  	s5 =	rddreg [dreg:$0x1];
	s2 =	simm.s32 $0x0;
	s9 =	simm.s32 $0x3400  }
0x4: {  	s10 =	simm.s32 $0x4400;
	s11 =	simm.s32 $0x100;
	s12 =	simm.s32 $0x5400  }
0x5: {  	s13 =	simm.s32 $0x180;
	s14 =	simm.s32 $0x6400;
	s15 =	simm.s32 $0x2  }
0x6: {  	s16 =	simm.s32 $0x3;
	s17 =	simm.s32 $0x4;
	s18 =	simm.s32 $0x5  }
0x7: {  	s19 =	simm.s32 $0x7400;
	s4 =	sand.u32 $0x1, s1;
	s1 =	rddreg [dreg:$0x2]  }
0x8: {  	s20 =	simm.s32 $0x0;
	s31 =	sshll.u32 s0, $0x1;
	[smem:$0x7FF] =	sst s2  }
.Ltmp0:
0x9: {  	s6 =	sor.u32 s4, s31;
	s4 =	ssub.s32 $0x2, s4;
	(pc) =	sbr.rel .LBB2_1-.Ltmp0, $4  }
0xa: {  	s7 =	smul.u32 $0x680, s6;
	s8 =	sshrl.u32 s4, $0x1;
	s6 =	sshll.u32 s6, $0xB  }
0xb: {  	_ =	strace $0x80000047;
	s8 =	ssub.s32 s4, s8;
	s5 =	sadd.s32 s5, s6  }
0xc: {  	s7 =	sadd.s32 s7, s3;
	s3 =	sadd.s32 $0x27ACC00, s3;
	s6 =	smax.u32 s8, $0x1  }
0xd: {  	v0 =	vimm.f32 $0.0e+00;
	s8 =	simm.s32 $0x80;
	s4 =	sadd.s32 $0x800, s7;
	s7 =	simm.s32 $0x1  }
.LBB2_14:
0xe: {  	s20 =	sadd.s32 $0x1, s20  }
0xf: {  	p0 =	sne.s32 s20, s6  }
.Ltmp1:
0x10: {  	_ = 	snop;
	(pc) =	sbr.rel @!p0 .LBB2_15-.Ltmp1, $4  }
0x11: {  	[hbm4b:s5+s2] =	stream.linear.scatter [tilespmem:s19], [sflag:$0x1], $0x4000, $0x38;
	[tilespmem:$0xB400] =	vst v63  }
0x12: {  	_ =	swait.ge [sflag:s7], $0x4000  }
0x13: {  	[sflag:s7] =	ssyncset.done $0x0  }
0x14: {  	[sflag:s7] =	ssyncadd.s32 $0xFFFFC000  }
.LBB2_1:
0x15: {  	[tilespmem:s2], [sflag:$0x1] =	stream.linear.gather [hbm4b:s4+s2], $0x3400, $0x38;
	[tilespmem:$0xB400] =	vst v63  }
0x16: {  	_ =	swait.ge [sflag:s7], $0x3400  }
0x17: {  	[sflag:s7] =	ssyncset.done $0x0  }
0x18: {  	[sflag:s7] =	ssyncadd.s32 $0xFFFFCC00  }
0x19: {  	[tilespmem:s9], [sflag:$0x2] =	stream.indirect.gather [hbm4b:s3+s8], $0x20, s2, s8, $0xb8;
	[tilespmem:$0xB400] =	vst v63  }
0x1a: {  	_ = 	snop  }
0x1b: {  	[tilespmem:s10], [sflag:$0x3] =	stream.indirect.gather [hbm4b:s3+s8], $0x20, s8, s8, $0xb8;
	[tilespmem:$0xB400] =	vst v63  }
0x1c: {  	_ = 	snop  }
0x1d: {  	[tilespmem:s12], [sflag:$0x4] =	stream.indirect.gather [hbm4b:s3+s8], $0x20, s11, s8, $0xb8;
	[tilespmem:$0xB400] =	vst v63  }
0x1e: {  	s22 =	simm.s32 $0x0;
	s21 =	simm.s32 $0x400  }
0x1f: {  	[tilespmem:s14], [sflag:$0x5] =	stream.indirect.gather [hbm4b:s3+s8], $0x20, s13, s8, $0xb8;
	[tilespmem:$0xB400] =	vst v63  }
.LBB2_2:
0x20: {  	p0 =	sne.s32 s21, $0xFC00;
	[tilespmem:s22+$0x74F0] =	vst v0  }
0x21: {  	[tilespmem:s22+$0x7400] =	vst v0  }
0x22: {  	[tilespmem:s22+$0x7410] =	vst v0  }
0x23: {  	[tilespmem:s22+$0x7420] =	vst v0  }
0x24: {  	[tilespmem:s22+$0x7430] =	vst v0  }
0x25: {  	[tilespmem:s22+$0x7440] =	vst v0  }
0x26: {  	[tilespmem:s22+$0x7450] =	vst v0  }
0x27: {  	[tilespmem:s22+$0x7460] =	vst v0  }
0x28: {  	[tilespmem:s22+$0x7470] =	vst v0  }
0x29: {  	[tilespmem:s22+$0x7480] =	vst v0  }
0x2a: {  	[tilespmem:s22+$0x7490] =	vst v0  }
.Ltmp2:
0x2b: {  	[tilespmem:s22+$0x74A0] =	vst v0;
	(pc) =	sbr.rel @p0 .LBB2_2-.Ltmp2, $4  }
0x2c: {  	[tilespmem:s22+$0x74B0] =	vst v0  }
0x2d: {  	[tilespmem:s22+$0x74C0] =	vst v0  }
0x2e: {  	[tilespmem:s22+$0x74D0] =	vst v0  }
0x2f: {  	[tilespmem:s22+$0x74E0] =	vst v0;
	s22 =	sshra.s32 s21, $0x2;
	s21 =	sadd.s32 $0x400, s21  }
0x30: {  	[tilespmem:s22+$0x74F0] =	vst v0  }
0x31: {  	[tilespmem:s22+$0x7400] =	vst v0  }
0x32: {  	[tilespmem:s22+$0x7410] =	vst v0  }
0x33: {  	[tilespmem:s22+$0x7420] =	vst v0  }
0x34: {  	[tilespmem:s22+$0x7430] =	vst v0  }
0x35: {  	[tilespmem:s22+$0x7440] =	vst v0  }
0x36: {  	[tilespmem:s22+$0x7450] =	vst v0  }
0x37: {  	[tilespmem:s22+$0x7460] =	vst v0  }
0x38: {  	[tilespmem:s22+$0x7470] =	vst v0  }
0x39: {  	[tilespmem:s22+$0x7480] =	vst v0  }
0x3a: {  	[tilespmem:s22+$0x7490] =	vst v0  }
0x3b: {  	[tilespmem:s22+$0x74A0] =	vst v0  }
0x3c: {  	[tilespmem:s22+$0x74B0] =	vst v0  }
0x3d: {  	[tilespmem:s22+$0x74C0] =	vst v0  }
0x3e: {  	[tilespmem:s22+$0x74D0] =	vst v0  }
0x3f: {  	s21 =	simm.s32 $0x0;
	[tilespmem:s22+$0x74E0] =	vst v0  }
.LBB2_4:
0x40: {  	_ =	swait.ge [sflag:s15], $0x1000  }
0x41: {  	[sflag:s15] =	ssyncset.done $0x0  }
0x42: {  	s24 =	simm.s32 $0x0;
	s22 =	simm.s32 $0x200;
	[sflag:s15] =	ssyncadd.s32 $0xFFFFF000  }
.LBB2_5:
0x43: {  	p0 =	sne.s32 s22, $0x3E00;
	v1 =	vld [tilespmem:s24+$0x3470]  }
0x44: {  	v2 =	vld [tilespmem:s24+$0x3400]  }
0x45: {  	v3 =	vld [tilespmem:s24+$0x3410]  }
0x46: {  	v4 =	vld [tilespmem:s24+$0x3420]  }
0x47: {  	v5 =	vld [tilespmem:s24+$0x3430]  }
0x48: {  	[tilespmem:s24+$0x7470] =	vst.add.f32.msk $0xffff, v1  }
0x49: {  	v1 =	vld [tilespmem:s24+$0x3440]  }
0x4a: {  	v6 =	vld [tilespmem:s24+$0x3450]  }
0x4b: {  	v7 =	vld [tilespmem:s24+$0x3460]  }
0x4c: {  	[tilespmem:s24+$0x7400] =	vst.add.f32.msk $0xffff, v2  }
0x4d: {  	[tilespmem:s24+$0x7410] =	vst.add.f32.msk $0xffff, v3  }
.Ltmp3:
0x4e: {  	[tilespmem:s24+$0x7420] =	vst.add.f32.msk $0xffff, v4;
	(pc) =	sbr.rel @p0 .LBB2_5-.Ltmp3, $4  }
0x4f: {  	[tilespmem:s24+$0x7430] =	vst.add.f32.msk $0xffff, v5  }
0x50: {  	[tilespmem:s24+$0x7440] =	vst.add.f32.msk $0xffff, v1  }
0x51: {  	[tilespmem:s24+$0x7450] =	vst.add.f32.msk $0xffff, v6  }
0x52: {  	[tilespmem:s24+$0x7460] =	vst.add.f32.msk $0xffff, v7;
	s24 =	sshra.s32 s22, $0x2;
	s22 =	sadd.s32 $0x200, s22  }
0x53: {  	v1 =	vld [tilespmem:s24+$0x3470]  }
0x54: {  	v2 =	vld [tilespmem:s24+$0x3400]  }
0x55: {  	v3 =	vld [tilespmem:s24+$0x3410]  }
0x56: {  	v4 =	vld [tilespmem:s24+$0x3420]  }
0x57: {  	v5 =	vld [tilespmem:s24+$0x3430]  }
0x58: {  	v6 =	vld [tilespmem:s24+$0x3450]  }
0x59: {  	v7 =	vld [tilespmem:s24+$0x3460]  }
0x5a: {  	[tilespmem:s24+$0x7470] =	vst.add.f32.msk $0xffff, v1  }
0x5b: {  	v1 =	vld [tilespmem:s24+$0x3440]  }
0x5c: {  	[tilespmem:s24+$0x7400] =	vst.add.f32.msk $0xffff, v2  }
0x5d: {  	[tilespmem:s24+$0x7410] =	vst.add.f32.msk $0xffff, v3  }
0x5e: {  	[tilespmem:s24+$0x7420] =	vst.add.f32.msk $0xffff, v4  }
0x5f: {  	[tilespmem:s24+$0x7430] =	vst.add.f32.msk $0xffff, v5  }
0x60: {  	s22 =	sshll.u32 s21, $0xB;
	p0 =	seq.s32 s21, $0x19;
	[tilespmem:s24+$0x7450] =	vst.add.f32.msk $0xffff, v6  }
0x61: {  	s23 =	sshrl.u32 @!p0 s22, $0x2;
	[tilespmem:s24+$0x7460] =	vst.add.f32.msk $0xffff, v7  }
0x62: {  	s25 =	simm.s32 @!p0 $0x80;
	s26 =	simm.s32 @!p0 $0x3400;
	[tilespmem:s24+$0x7440] =	vst.add.f32.msk $0xffff, v1;
	s24 =	sadd.s32 @!p0 $0x200, s23  }
0x63: {  	[tilespmem:s26], [sflag:$0x2] =	stream.indirect.gather @!p0 [hbm4b:s3+s25], $0x20, s24, s25, $0xb8;
	[tilespmem:$0xB400] =	vst v63  }
0x64: {  	_ =	swait.ge [sflag:s16], $0x1000  }
0x65: {  	[sflag:s16] =	ssyncset.done $0x0  }
0x66: {  	s24 =	simm.s32 $0x0;
	s25 =	simm.s32 $0x200;
	[sflag:s16] =	ssyncadd.s32 $0xFFFFF000  }
.LBB2_7:
0x67: {  	p1 =	sne.s32 s25, $0x3E00;
	v1 =	vld [tilespmem:s24+$0x4470]  }
0x68: {  	v2 =	vld [tilespmem:s24+$0x4400]  }
0x69: {  	v3 =	vld [tilespmem:s24+$0x4410]  }
0x6a: {  	v4 =	vld [tilespmem:s24+$0x4420]  }
0x6b: {  	v5 =	vld [tilespmem:s24+$0x4430]  }
0x6c: {  	[tilespmem:s24+$0x8470] =	vst.add.f32.msk $0xffff, v1  }
0x6d: {  	v1 =	vld [tilespmem:s24+$0x4440]  }
0x6e: {  	v6 =	vld [tilespmem:s24+$0x4450]  }
0x6f: {  	v7 =	vld [tilespmem:s24+$0x4460]  }
0x70: {  	[tilespmem:s24+$0x8400] =	vst.add.f32.msk $0xffff, v2  }
0x71: {  	[tilespmem:s24+$0x8410] =	vst.add.f32.msk $0xffff, v3  }
.Ltmp4:
0x72: {  	[tilespmem:s24+$0x8420] =	vst.add.f32.msk $0xffff, v4;
	(pc) =	sbr.rel @p1 .LBB2_7-.Ltmp4, $4  }
0x73: {  	[tilespmem:s24+$0x8430] =	vst.add.f32.msk $0xffff, v5  }
0x74: {  	[tilespmem:s24+$0x8440] =	vst.add.f32.msk $0xffff, v1  }
0x75: {  	[tilespmem:s24+$0x8450] =	vst.add.f32.msk $0xffff, v6  }
0x76: {  	[tilespmem:s24+$0x8460] =	vst.add.f32.msk $0xffff, v7;
	s24 =	sshra.s32 s25, $0x2;
	s25 =	sadd.s32 $0x200, s25  }
0x77: {  	v1 =	vld [tilespmem:s24+$0x4470]  }
0x78: {  	v2 =	vld [tilespmem:s24+$0x4400]  }
0x79: {  	v3 =	vld [tilespmem:s24+$0x4410]  }
0x7a: {  	v4 =	vld [tilespmem:s24+$0x4420]  }
0x7b: {  	v5 =	vld [tilespmem:s24+$0x4430]  }
0x7c: {  	v6 =	vld [tilespmem:s24+$0x4450]  }
0x7d: {  	v7 =	vld [tilespmem:s24+$0x4460]  }
0x7e: {  	[tilespmem:s24+$0x8470] =	vst.add.f32.msk $0xffff, v1  }
0x7f: {  	v1 =	vld [tilespmem:s24+$0x4440]  }
0x80: {  	[tilespmem:s24+$0x8400] =	vst.add.f32.msk $0xffff, v2  }
0x81: {  	[tilespmem:s24+$0x8410] =	vst.add.f32.msk $0xffff, v3  }
0x82: {  	[tilespmem:s24+$0x8420] =	vst.add.f32.msk $0xffff, v4  }
0x83: {  	[tilespmem:s24+$0x8430] =	vst.add.f32.msk $0xffff, v5  }
0x84: {  	[tilespmem:s24+$0x8450] =	vst.add.f32.msk $0xffff, v6  }
0x85: {  	[tilespmem:s24+$0x8460] =	vst.add.f32.msk $0xffff, v7  }
0x86: {  	s25 =	simm.s32 @!p0 $0x80;
	s26 =	simm.s32 @!p0 $0x4400;
	[tilespmem:s24+$0x8440] =	vst.add.f32.msk $0xffff, v1;
	s24 =	sadd.s32 @!p0 $0x280, s23  }
0x87: {  	[tilespmem:s26], [sflag:$0x3] =	stream.indirect.gather @!p0 [hbm4b:s3+s25], $0x20, s24, s25, $0xb8;
	[tilespmem:$0xB400] =	vst v63  }
0x88: {  	_ =	swait.ge [sflag:s17], $0x1000  }
0x89: {  	[sflag:s17] =	ssyncset.done $0x0  }
0x8a: {  	s24 =	simm.s32 $0x0;
	s25 =	simm.s32 $0x200;
	[sflag:s17] =	ssyncadd.s32 $0xFFFFF000  }
.LBB2_9:
0x8b: {  	p1 =	sne.s32 s25, $0x3E00;
	v1 =	vld [tilespmem:s24+$0x5470]  }
0x8c: {  	v2 =	vld [tilespmem:s24+$0x5400]  }
0x8d: {  	v3 =	vld [tilespmem:s24+$0x5410]  }
0x8e: {  	v4 =	vld [tilespmem:s24+$0x5420]  }
0x8f: {  	v5 =	vld [tilespmem:s24+$0x5430]  }
0x90: {  	[tilespmem:s24+$0x9470] =	vst.add.f32.msk $0xffff, v1  }
0x91: {  	v1 =	vld [tilespmem:s24+$0x5440]  }
0x92: {  	v6 =	vld [tilespmem:s24+$0x5450]  }
0x93: {  	v7 =	vld [tilespmem:s24+$0x5460]  }
0x94: {  	[tilespmem:s24+$0x9400] =	vst.add.f32.msk $0xffff, v2  }
0x95: {  	[tilespmem:s24+$0x9410] =	vst.add.f32.msk $0xffff, v3  }
.Ltmp5:
0x96: {  	[tilespmem:s24+$0x9420] =	vst.add.f32.msk $0xffff, v4;
	(pc) =	sbr.rel @p1 .LBB2_9-.Ltmp5, $4  }
0x97: {  	[tilespmem:s24+$0x9430] =	vst.add.f32.msk $0xffff, v5  }
0x98: {  	[tilespmem:s24+$0x9440] =	vst.add.f32.msk $0xffff, v1  }
0x99: {  	[tilespmem:s24+$0x9450] =	vst.add.f32.msk $0xffff, v6  }
0x9a: {  	[tilespmem:s24+$0x9460] =	vst.add.f32.msk $0xffff, v7;
	s24 =	sshra.s32 s25, $0x2;
	s25 =	sadd.s32 $0x200, s25  }
0x9b: {  	v1 =	vld [tilespmem:s24+$0x5470]  }
0x9c: {  	v2 =	vld [tilespmem:s24+$0x5400]  }
0x9d: {  	v3 =	vld [tilespmem:s24+$0x5410]  }
0x9e: {  	v4 =	vld [tilespmem:s24+$0x5420]  }
0x9f: {  	v5 =	vld [tilespmem:s24+$0x5430]  }
0xa0: {  	v6 =	vld [tilespmem:s24+$0x5450]  }
0xa1: {  	v7 =	vld [tilespmem:s24+$0x5460]  }
0xa2: {  	[tilespmem:s24+$0x9470] =	vst.add.f32.msk $0xffff, v1  }
0xa3: {  	v1 =	vld [tilespmem:s24+$0x5440]  }
0xa4: {  	[tilespmem:s24+$0x9400] =	vst.add.f32.msk $0xffff, v2  }
0xa5: {  	[tilespmem:s24+$0x9410] =	vst.add.f32.msk $0xffff, v3  }
0xa6: {  	[tilespmem:s24+$0x9420] =	vst.add.f32.msk $0xffff, v4  }
0xa7: {  	[tilespmem:s24+$0x9430] =	vst.add.f32.msk $0xffff, v5  }
0xa8: {  	[tilespmem:s24+$0x9450] =	vst.add.f32.msk $0xffff, v6  }
0xa9: {  	[tilespmem:s24+$0x9460] =	vst.add.f32.msk $0xffff, v7  }
0xaa: {  	s23 =	sadd.s32 @!p0 $0x300, s23;
	s25 =	simm.s32 @!p0 $0x5400;
	[tilespmem:s24+$0x9440] =	vst.add.f32.msk $0xffff, v1;
	s24 =	simm.s32 @!p0 $0x80  }
0xab: {  	[tilespmem:s25], [sflag:$0x4] =	stream.indirect.gather @!p0 [hbm4b:s3+s24], $0x20, s23, s24, $0xb8;
	[tilespmem:$0xB400] =	vst v63  }
0xac: {  	_ =	swait.ge [sflag:s18], $0x1000  }
0xad: {  	[sflag:s18] =	ssyncset.done $0x0  }
0xae: {  	s23 =	simm.s32 $0x0;
	s24 =	simm.s32 $0x200;
	[sflag:s18] =	ssyncadd.s32 $0xFFFFF000  }
.LBB2_11:
0xaf: {  	p1 =	sne.s32 s24, $0x3E00;
	v1 =	vld [tilespmem:s23+$0x6470]  }
0xb0: {  	v2 =	vld [tilespmem:s23+$0x6400]  }
0xb1: {  	v3 =	vld [tilespmem:s23+$0x6410]  }
0xb2: {  	v4 =	vld [tilespmem:s23+$0x6420]  }
0xb3: {  	v5 =	vld [tilespmem:s23+$0x6430]  }
0xb4: {  	[tilespmem:s23+$0xA470] =	vst.add.f32.msk $0xffff, v1  }
0xb5: {  	v1 =	vld [tilespmem:s23+$0x6440]  }
0xb6: {  	v6 =	vld [tilespmem:s23+$0x6450]  }
0xb7: {  	v7 =	vld [tilespmem:s23+$0x6460]  }
0xb8: {  	[tilespmem:s23+$0xA400] =	vst.add.f32.msk $0xffff, v2  }
0xb9: {  	[tilespmem:s23+$0xA410] =	vst.add.f32.msk $0xffff, v3  }
.Ltmp6:
0xba: {  	[tilespmem:s23+$0xA420] =	vst.add.f32.msk $0xffff, v4;
	(pc) =	sbr.rel @p1 .LBB2_11-.Ltmp6, $4  }
0xbb: {  	[tilespmem:s23+$0xA430] =	vst.add.f32.msk $0xffff, v5  }
0xbc: {  	[tilespmem:s23+$0xA440] =	vst.add.f32.msk $0xffff, v1  }
0xbd: {  	[tilespmem:s23+$0xA450] =	vst.add.f32.msk $0xffff, v6  }
0xbe: {  	[tilespmem:s23+$0xA460] =	vst.add.f32.msk $0xffff, v7;
	s23 =	sshra.s32 s24, $0x2;
	s24 =	sadd.s32 $0x200, s24  }
0xbf: {  	v1 =	vld [tilespmem:s23+$0x6470]  }
0xc0: {  	v2 =	vld [tilespmem:s23+$0x6400]  }
0xc1: {  	v3 =	vld [tilespmem:s23+$0x6410]  }
0xc2: {  	v4 =	vld [tilespmem:s23+$0x6420]  }
0xc3: {  	v5 =	vld [tilespmem:s23+$0x6430]  }
0xc4: {  	v6 =	vld [tilespmem:s23+$0x6450]  }
0xc5: {  	v7 =	vld [tilespmem:s23+$0x6460]  }
0xc6: {  	[tilespmem:s23+$0xA470] =	vst.add.f32.msk $0xffff, v1  }
0xc7: {  	v1 =	vld [tilespmem:s23+$0x6440]  }
0xc8: {  	[tilespmem:s23+$0xA400] =	vst.add.f32.msk $0xffff, v2  }
0xc9: {  	[tilespmem:s23+$0xA410] =	vst.add.f32.msk $0xffff, v3  }
.Ltmp7:
0xca: {  	[tilespmem:s23+$0xA420] =	vst.add.f32.msk $0xffff, v4;
	(pc) =	sbr.rel @p0 .LBB2_14-.Ltmp7, $4  }
0xcb: {  	[tilespmem:s23+$0xA430] =	vst.add.f32.msk $0xffff, v5  }
0xcc: {  	[tilespmem:s23+$0xA450] =	vst.add.f32.msk $0xffff, v6  }
0xcd: {  	[tilespmem:s23+$0xA460] =	vst.add.f32.msk $0xffff, v7  }
0xce: {  	[tilespmem:s23+$0xA440] =	vst.add.f32.msk $0xffff, v1  }
.Ltmp8:
0xcf: {  	(pc) =	sbr.rel .LBB2_4-.Ltmp8, $4  }
0xd0: {  	_ = 	snop  }
0xd1: {  	s22 =	sshrl.u32 s22, $0x2  }
0xd2: {  	s21 =	sadd.s32 $0x1, s21;
	s22 =	sadd.s32 $0x380, s22  }
0xd3: {  	[tilespmem:s14], [sflag:$0x5] =	stream.indirect.gather [hbm4b:s3+s8], $0x20, s22, s8, $0xb8;
	[tilespmem:$0xB400] =	vst v63  }
.LBB2_15:
0xd4: {  	_ =	sfence.sel $0x180000  }
0xd5: {  	[bflag:$0x0] =	sbarrier.arrive $0xFFFF  }
0xd6: {  	p0 =	sne.s32 s0, $0x0;
	_ =	strace $0x90000047  }
0xd7: {  	s0 =	sadd.s32 @!p0 $0x100000, s1;
	[bflag:$0x2] =	sbarrier.arrive $0xFFFF  }
0xd8: {  	[sflag:s0] =	ssyncadd.tile.s32 @!p0 $0x1;
	_ =	shalt  }
.Lfunc_end2:
_tile_overlayer_lowered:
.L_overlay_start_2:
0xd9: {  	(tag) =	ssettag $0x2  }
0xda: {  	s0 =	rddreg [dreg:$0x0];
	s2 =	stileid.u32  }
0xdb: {  	s1 =	rddreg [dreg:$0x1];
	p0 =	sne.s32 s2, $0x0  }
0xdc: {  	s3 =	rddreg [dreg:$0x2];
	[bflag:$0x3] =	sbarrier.arrive $0xFFFF;
	s2 =	simm.s32 @!p0 $0x1C06  }
0xdd: {  	[timem:s3], [sflag:s2] =	dma.local @!p0 [hbm:s0], s1  }
0xde: {  	s0 =	simm.s32 @!p0 $0x6  }
0xdf: {  	_ =	swait.ge @!p0 [sflag:s0], s1  }
0xe0: {  	s1 =	ssub.s32 @!p0 $0x0, s1;
	[sflag:s0] =	ssyncset.done @!p0 $0x0  }
0xe1: {  	[sflag:s0] =	ssyncadd.s32 @!p0 s1  }
0xe2: {  	[bflag:$0x3] =	sbarrier.arrive $0xFFFF  }
0xe3: {  	_ =	shalt  }

</sc_bundles>
